<compile_context>
chip_gen: v7x
topology: tpu7x:2x2x1
jax: 0.10.2.dev20260603
libtpu: 0.0.44.dev20260713+nightly
codegen_flags: <defaults>
</compile_context>

<pallas_src>
import functools

import jax
import jax.numpy as jnp
from jax import lax
from jax.experimental import pallas as pl
from jax.experimental.pallas import tpu as pltpu
from jax.experimental.pallas import tpu_sc as plsc

N = 10000
E = 320000
G = 16
W = 128
NC = 2
NS = 16
NPAD = 10240
ZROWS = NPAD // NS
K = 80
EP = 320000
DROW = 10016

_mesh = plsc.VectorSubcoreMesh(core_axis_name="c", subcore_axis_name="s")


WD = 16


def _make_deg_kernel():
    ep_tile = EP // (NC * NS)
    n = ep_tile // K
    nb = 2

    @functools.partial(
        pl.kernel,
        out_type=jax.ShapeDtypeStruct((NC * NPAD, WD), jnp.float32),
        mesh=_mesh,
        scratch_types=[
            pltpu.VMEM_SHARED((NPAD, WD), jnp.float32),
            pltpu.VMEM((nb, K), jnp.int32),
            pltpu.VMEM((K, WD), jnp.float32),
            pltpu.SemaphoreType.DMA((nb,)),
            pltpu.SemaphoreType.DMA((nb,)),
        ],
    )
    def kdeg(dst_hbm, zin_hbm, ones_hbm, out_hbm, acc, idx_d, ones_v,
             sem_i, sem_s):
        c = lax.axis_index("c")
        s = lax.axis_index("s")
        wid = s * NC + c
        pltpu.sync_copy(zin_hbm, acc.at[pl.ds(s * ZROWS, ZROWS)])
        pltpu.sync_copy(ones_hbm, ones_v)
        plsc.subcore_barrier()

        def stages(t, carry):
            @pl.when(t < n)
            def _a():
                b = lax.rem(t, nb)

                @pl.when(t >= nb)
                def _wait_free():
                    pltpu.make_async_copy(
                        ones_v, acc.at[idx_d.at[b]], sem_s.at[b]).wait()

                base = wid * ep_tile + t * K
                pltpu.async_copy(dst_hbm.at[pl.ds(base, K)],
                                 idx_d.at[b], sem_i.at[b])

            @pl.when(t >= 1)
            def _c():
                b = lax.rem(t - 1, nb)
                pltpu.make_async_copy(dst_hbm.at[pl.ds(0, K)],
                                      idx_d.at[b], sem_i.at[b]).wait()
                pltpu.async_copy(ones_v, acc.at[idx_d.at[b]],
                                 sem_s.at[b], add=True)

            return carry

        lax.fori_loop(0, n + 1, stages, 0)
        for b in range(nb):
            pltpu.make_async_copy(ones_v, acc.at[idx_d.at[b]],
                                  sem_s.at[b]).wait()
        plsc.subcore_barrier()
        pltpu.sync_copy(acc.at[pl.ds(s * ZROWS, ZROWS)],
                        out_hbm.at[pl.ds(c * NPAD + s * ZROWS, ZROWS)])

    return kdeg


NB = 3


def _make_edge_kernel(split_features):
    cores_per_edge = 1 if split_features else NC
    ep_tile = EP // (NS * cores_per_edge)
    n = ep_tile // K

    @functools.partial(
        pl.kernel,
        out_type=jax.ShapeDtypeStruct((NC * NPAD, W), jnp.float32),
        mesh=_mesh,
        scratch_types=[
            pltpu.VMEM_SHARED((NPAD, W), jnp.float32),
            pltpu.VMEM((NB, K), jnp.int32),
            pltpu.VMEM((NB, K), jnp.int32),
            pltpu.VMEM((NB, K, W), jnp.float32),
            pltpu.SemaphoreType.DMA((NB,)),
            pltpu.SemaphoreType.DMA((NB,)),
            pltpu.SemaphoreType.DMA((NB,)),
        ],
    )
    def kedge(tab_hbm, srca_hbm, srcb_hbm, dst_hbm, zin_hbm, out_hbm,
              acc, idx_s, idx_d, rows, sem_i, sem_g, sem_s):
        c = lax.axis_index("c")
        s = lax.axis_index("s")
        if split_features:
            tile_base = s * ep_tile
        else:
            tile_base = (s * NC + c) * ep_tile
        pltpu.sync_copy(zin_hbm, acc.at[pl.ds(s * ZROWS, ZROWS)])
        plsc.subcore_barrier()

        def stages(t, carry):
            @pl.when(t < n)
            def _a():
                b = lax.rem(t, NB)

                @pl.when(t >= NB)
                def _wait_free():
                    pltpu.make_async_copy(
                        rows.at[b], acc.at[idx_d.at[b]], sem_s.at[b]).wait()

                base = tile_base + t * K

                @pl.when(c == 0)
                def _lda():
                    pltpu.async_copy(srca_hbm.at[pl.ds(base, K)],
                                     idx_s.at[b], sem_i.at[b])

                @pl.when(c == 1)
                def _ldb():
                    pltpu.async_copy(srcb_hbm.at[pl.ds(base, K)],
                                     idx_s.at[b], sem_i.at[b])

                pltpu.async_copy(dst_hbm.at[pl.ds(base, K)],
                                 idx_d.at[b], sem_i.at[b])

            @pl.when(jnp.logical_and(t >= 1, t <= n))
            def _b():
                b = lax.rem(t - 1, NB)
                pltpu.make_async_copy(dst_hbm.at[pl.ds(0, K)],
                                      idx_s.at[b], sem_i.at[b]).wait()
                pltpu.make_async_copy(dst_hbm.at[pl.ds(0, K)],
                                      idx_d.at[b], sem_i.at[b]).wait()
                pltpu.async_copy(tab_hbm.at[idx_s.at[b]], rows.at[b],
                                 sem_g.at[b])

            @pl.when(t >= 2)
            def _c():
                b = lax.rem(t - 2, NB)
                pltpu.make_async_copy(tab_hbm.at[idx_s.at[b]], rows.at[b],
                                      sem_g.at[b]).wait()
                pltpu.async_copy(rows.at[b], acc.at[idx_d.at[b]],
                                 sem_s.at[b], add=True)

            return carry

        lax.fori_loop(0, n + 2, stages, 0)
        for b in range(NB):
            pltpu.make_async_copy(rows.at[b], acc.at[idx_d.at[b]],
                                  sem_s.at[b]).wait()
        plsc.subcore_barrier()
        pltpu.sync_copy(acc.at[pl.ds(s * ZROWS, ZROWS)],
                        out_hbm.at[pl.ds(c * NPAD + s * ZROWS, ZROWS)])

    return kedge


_deg_call = _make_deg_kernel()
_edge1_call = _make_edge_kernel(split_features=False)
_edge2_call = _make_edge_kernel(split_features=True)

_BLK = 1000
_NBLK = N // _BLK


def _scale_body(degp_ref, x_ref, xs_ref, dinv_ref):
    deg = 1.0 + degp_ref[0, :, 0] + degp_ref[1, :, 0]
    dinv = lax.rsqrt(deg)
    xs_ref[...] = dinv[:, None] * x_ref[...]
    dinv_ref[...] = dinv[:, None]


def _scale_call(degp3, x):
    return pl.pallas_call(
        _scale_body,
        grid=(_NBLK,),
        in_specs=[
            pl.BlockSpec((2, _BLK, WD), lambda i: (0, i, 0)),
            pl.BlockSpec((_BLK, 128), lambda i: (i, 0)),
        ],
        out_specs=[
            pl.BlockSpec((_BLK, 128), lambda i: (i, 0)),
            pl.BlockSpec((_BLK, 1), lambda i: (i, 0)),
        ],
        out_shape=[
            jax.ShapeDtypeStruct((N, 128), jnp.float32),
            jax.ShapeDtypeStruct((N, 1), jnp.float32),
        ],
    )(degp3, x)


def _layer1_body(u1_ref, xs_ref, dinv_ref, w1_ref, b1_ref, hs2_ref):
    dinv = dinv_ref[...]
    agg = (u1_ref[0] + u1_ref[1] + xs_ref[...]) * dinv
    h = jnp.dot(agg, w1_ref[...], preferred_element_type=jnp.float32)
    h = jnp.maximum(h + b1_ref[0], 0.0)
    hs = h * dinv
    hs2_ref[0] = hs[:, :128]
    hs2_ref[1] = hs[:, 128:]


def _layer1_call(u1p, xs, dinv, w1, b1):
    return pl.pallas_call(
        _layer1_body,
        grid=(_NBLK,),
        in_specs=[
            pl.BlockSpec((2, _BLK, W), lambda i: (0, i, 0)),
            pl.BlockSpec((_BLK, 128), lambda i: (i, 0)),
            pl.BlockSpec((_BLK, 1), lambda i: (i, 0)),
            pl.BlockSpec((128, 256), lambda i: (0, 0)),
            pl.BlockSpec((1, 256), lambda i: (0, 0)),
        ],
        out_specs=pl.BlockSpec((2, _BLK, 128), lambda i: (0, i, 0)),
        out_shape=jax.ShapeDtypeStruct((2, N, 128), jnp.float32),
    )(u1p, xs, dinv, w1, b1)


def _layer2_body(u2_ref, hs2_ref, dinv_ref, w2_ref, b2_ref, wfc_ref, bfc_ref,
                 batch_ref, out_ref, sums_s, cnts_s):
    i = pl.program_id(0)
    dinv = dinv_ref[...]
    t0 = u2_ref[0] + hs2_ref[0]
    t1 = u2_ref[1] + hs2_ref[1]
    agg = jnp.concatenate([t0, t1], axis=1) * dinv
    h = jnp.dot(agg, w2_ref[...], preferred_element_type=jnp.float32)
    h = jnp.maximum(h + b2_ref[0], 0.0)
    t = jnp.dot(h, wfc_ref[...], preferred_element_type=jnp.float32)[:, 0]
    oh = (batch_ref[...]
          == lax.broadcasted_iota(jnp.int32, (1, G), 1)).astype(jnp.float32)
    spart = jnp.dot(t, oh, preferred_element_type=jnp.float32)
    cpart = jnp.sum(oh, axis=0)

    @pl.when(i == 0)
    def _init():
        sums_s[...] = jnp.zeros_like(sums_s)
        cnts_s[...] = jnp.zeros_like(cnts_s)

    sums_s[0] = sums_s[0] + spart
    cnts_s[0] = cnts_s[0] + cpart

    @pl.when(i == _NBLK - 1)
    def _fin():
        out_ref[...] = (sums_s[0] / jnp.maximum(cnts_s[0], 1.0)
                        + bfc_ref[0])


def _layer2_call(u2, hs2, dinv, w2, b2, wfc, bfc, batch):
    return pl.pallas_call(
        _layer2_body,
        grid=(_NBLK,),
        in_specs=[
            pl.BlockSpec((2, _BLK, 128), lambda i: (0, i, 0)),
            pl.BlockSpec((2, _BLK, 128), lambda i: (0, i, 0)),
            pl.BlockSpec((_BLK, 1), lambda i: (i, 0)),
            pl.BlockSpec((256, 256), lambda i: (0, 0)),
            pl.BlockSpec((1, 256), lambda i: (0, 0)),
            pl.BlockSpec((256, 1), lambda i: (0, 0)),
            pl.BlockSpec((1,), lambda i: (0,)),
            pl.BlockSpec((_BLK, 1), lambda i: (i, 0)),
        ],
        out_specs=pl.BlockSpec((G,), lambda i: (0,)),
        out_shape=jax.ShapeDtypeStruct((G,), jnp.float32),
        scratch_shapes=[
            pltpu.VMEM((1, G), jnp.float32),
            pltpu.VMEM((1, G), jnp.float32),
        ],
    )(u2, hs2, dinv, w2, b2, wfc, bfc, batch)


def kernel(x, edge_index, batch, W1, b1, W2, b2, Wfc, bfc):
    npadd = EP - E
    src = jnp.concatenate([edge_index[0], jnp.zeros((npadd,), jnp.int32)])
    dst = jnp.concatenate([edge_index[1],
                           jnp.full((npadd,), DROW, jnp.int32)])
    zin = jnp.zeros((ZROWS, W), jnp.float32)
    zin_d = jnp.zeros((ZROWS, WD), jnp.float32)
    ones = jnp.zeros((K, WD), jnp.float32).at[:, 0].set(1.0)

    src_hi = src + N

    degp = _deg_call(dst, zin_d, ones)
    xs, dinv = _scale_call(degp.reshape(2, NPAD, WD), x)
    u1p = _edge1_call(xs, src, src, dst, zin)
    hs2 = _layer1_call(u1p.reshape(2, NPAD, W), xs, dinv, W1,
                       b1.reshape(1, -1))
    u2 = _edge2_call(hs2.reshape(2 * N, 128), src, src_hi, dst, zin)
    out = _layer2_call(u2.reshape(2, NPAD, 128), hs2, dinv, W2,
                       b2.reshape(1, -1), Wfc, bfc, batch.reshape(N, 1))
    return out

# --- scband reference (transcript-rebuilt; emitter-appended) ---
"""Pipeline reference for scband-deepfake-gnn-18511309045924 (READ-ONLY COPY).

The authoritative reference and input builder live on the scoring server;
editing this copy changes nothing except your own understanding.
"""

import jax, jax.numpy as jnp
import numpy as np

N_NODES = 10000
N_EDGES = 320000
IN_DIM = 128
HIDDEN_DIM = 256
N_GRAPHS = 16


def setup_inputs(seed: int = 0) -> dict:
    key = jax.random.key(seed)
    ks = jax.random.split(key, 10)
    x = jax.random.normal(ks[0], (N_NODES, IN_DIM), dtype=jnp.float32)
    edge_index = jax.random.randint(ks[1], (2, N_EDGES), 0, N_ODES if False else N_NODES, dtype=jnp.int64 if jax.config.jax_enable_x64 else jnp.int32).astype(jnp.int32)
    batch = jnp.sort(jax.random.randint(ks[2], (N_NODES,), 0, N_GRAPHS)).astype(jnp.int32)
    s1 = 1.0 / np.sqrt(IN_DIM)
    s2 = 1.0 / np.sqrt(HIDDEN_DIM)
    W1 = jax.random.uniform(ks[3], (IN_DIM, HIDDEN_DIM), jnp.float32, -s1, s1)
    b1 = jax.random.uniform(ks[4], (HIDDEN_DIM,), jnp.float32, -s1, s1)
    W2 = jax.random.uniform(ks[5], (HIDDEN_DIM, HIDDEN_DIM), jnp.float32, -s2, s2)
    b2 = jax.random.uniform(ks[6], (HIDDEN_DIM,), jnp.float32, -s2, s2)
    Wfc = jax.random.uniform(ks[7], (HIDDEN_DIM, 1), jnp.float32, -s2, s2)
    bfc = jax.random.uniform(ks[8], (1,), jnp.float32, -s2, s2)
    return {"x": x, "edge_index": edge_index, "batch": batch,
            "W1": W1, "b1": b1, "W2": W2, "b2": b2, "Wfc": Wfc, "bfc": bfc}


def _gcn_conv(x, src, dst, W, b, n):
    # PyG GCNConv: x' = D^{-1/2} (A + I) D^{-1/2} X W + b
    h = x @ W
    loop = jnp.arange(n, dtype=src.dtype)
    src2 = jnp.concatenate([src, loop])
    dst2 = jnp.concatenate([dst, loop])
    deg = jnp.zeros((n,), dtype=h.dtype).at[dst2].add(1.0)
    dinv = jax.lax.rsqrt(deg)  # deg >= 1 due to self loops
    norm = dinv[src2] * dinv[dst2]
    msg = jnp.take(h, src2, axis=0) * norm[:, None]
    agg = jax.ops.segment_sum(msg, dst2, num_segments=n)
    return agg + b


def reference(x, edge_index, batch, W1, b1, W2, b2, Wfc, bfc):
    n = x.shape[0]
    src = edge_index[0]
    dst = edge_index[1]
    h = jax.nn.relu(_gcn_conv(x, src, dst, W1, b1, n))
    h = jax.nn.relu(_gcn_conv(h, src, dst, W2, b2, n))
    # global_mean_pool over graph ids
    sums = jax.ops.segment_sum(h, batch, num_segments=N_GRAPHS)
    counts = jax.ops.segment_sum(jnp.ones((n,), dtype=h.dtype), batch, num_segments=N_GRAPHS)
    pooled = sums / jnp.clip(counts, 1.0, None)[:, None]
    out = pooled @ Wfc + bfc
    return out.squeeze(-1)

if __name__ == "__main__":
    import jax
    _d = setup_inputs()
    print(jax.jit(kernel)(*tuple(_d.values())))

</pallas_src>

<mosaic_0001>
#map = affine_map<(d0, d1) -> (0, 0)>
#map1 = affine_map<(d0, d1) -> (0)>
module attributes {stable_mosaic.version = 14 : i64} {
  func.func @kedge(%arg0: i32, %arg1: i32, %arg2: memref<10000x128xf32, #tpu.memory_space<hbm>>, %arg3: memref<320000xi32, #tpu.memory_space<hbm>>, %arg4: memref<320000xi32, #tpu.memory_space<hbm>>, %arg5: memref<320000xi32, #tpu.memory_space<hbm>>, %arg6: memref<640x128xf32, #tpu.memory_space<hbm>>, %arg7: memref<20480x128xf32, #tpu.memory_space<hbm>>, %arg8: memref<10240x128xf32, #tpu.memory_space<vmem_shared>>, %arg9: memref<3x80xi32, #tpu.memory_space<vmem>>, %arg10: memref<3x80xi32, #tpu.memory_space<vmem>>, %arg11: memref<3x80x128xf32, #tpu.memory_space<vmem>>, %arg12: memref<3x!tpu.dma_semaphore, #tpu.memory_space<semaphore_mem>>, %arg13: memref<3x!tpu.dma_semaphore, #tpu.memory_space<semaphore_mem>>, %arg14: memref<3x!tpu.dma_semaphore, #tpu.memory_space<semaphore_mem>>) attributes {dimension_semantics = [#tpu.dimension_semantics<core_parallel>, #tpu.dimension_semantics<subcore_parallel>], iteration_bounds = array<i64: 2, 16>, scalar_prefetch = 0 : i64, scratch_operands = 7 : i64, tpu.core_type = #tpu.core_type<sc_vector_subcore>, window_params = [{transform_indices = #map}, {transform_indices = #map1}, {transform_indices = #map1}, {transform_indices = #map1}, {transform_indices = #map}, {transform_indices = #map}]} {
    %mul3A = arith.constant 2 : i32
    %mul3A_0 = arith.muli %arg1, %mul3A : i32
    %add3A = arith.addi %mul3A_0, %arg0 : i32
    %mul3A_1 = arith.constant 10000 : i32
    %mul3A_2 = arith.muli %add3A, %mul3A_1 : i32
    %mul3A_3 = arith.constant 640 : i32
    %mul3A_4 = arith.muli %arg1, %mul3A_3 : i32
    "tpu.region"() ({
      %run_scoped3A = tpu.sem_alloc : memref<!tpu.dma_semaphore, #tpu.memory_space<semaphore_mem>>
      %dma_start3A = arith.constant 0 : i32
      %dma_start3A_62 = tpu.memref_slice %arg8[%mul3A_4, %dma_start3A] : memref<10240x128xf32, #tpu.memory_space<vmem_shared>> -> memref<640x128xf32, #tpu.memory_space<vmem_shared>>
      tpu.enqueue_dma source(%arg6 : memref<640x128xf32, #tpu.memory_space<hbm>>) target(%dma_start3A_62 : memref<640x128xf32, #tpu.memory_space<vmem_shared>>) target_semaphore(%run_scoped3A : memref<!tpu.dma_semaphore, #tpu.memory_space<semaphore_mem>>)
      %dma_wait3A_63 = arith.constant 0 : i32
      %dma_wait3A_64 = tpu.memref_slice %arg8[%mul3A_4, %dma_wait3A_63] : memref<10240x128xf32, #tpu.memory_space<vmem_shared>> -> memref<640x128xf32, #tpu.memory_space<vmem_shared>>
      tpu.wait_dma2 semaphore(%run_scoped3A : memref<!tpu.dma_semaphore, #tpu.memory_space<semaphore_mem>>) src(%arg6 : memref<640x128xf32, #tpu.memory_space<hbm>>) dst(%dma_wait3A_64 : memref<640x128xf32, #tpu.memory_space<vmem_shared>>)
      tpu.yield
    }) : () -> ()
    %barrier3A = arith.constant 0 : index
    tpu.barrier barrier_id(%barrier3A)
    %scan3A = arith.constant 0 : i32
    %scan3A_5 = arith.constant 0 : i32
    %scan3A_6 = arith.constant 127 : i32
    %scan3A_7 = arith.addi %scan3A_5, %scan3A_6 : i32
    %scan3A_8 = arith.constant 1 : i32
    scf.for %scan3A_62 = %scan3A_5 to %scan3A_7 step %scan3A_8  : i32 {
      %lt3A = arith.constant 125 : i32
      %lt3A_63 = arith.cmpi slt, %scan3A_62, %lt3A : i32
      %convert_element_type3A = arith.extui %lt3A_63 : i1 to i32
      %cond3A = arith.constant 0 : i32
      %cond3A_64 = arith.cmpi ne, %convert_element_type3A, %cond3A : i32
      scf.if %cond3A_64 {
        %rem3A = arith.constant 3 : i32
        %rem3A_75 = arith.remsi %scan3A_62, %rem3A : i32
        %ge3A_76 = arith.constant 3 : i32
        %ge3A_77 = arith.cmpi sge, %scan3A_62, %ge3A_76 : i32
        %convert_element_type3A_78 = arith.extui %ge3A_77 : i1 to i32
        %cond3A_79 = arith.constant 0 : i32
        %cond3A_80 = arith.cmpi ne, %convert_element_type3A_78, %cond3A_79 : i32
        scf.if %cond3A_80 {
          %dma_wait3A_102 = arith.constant 0 : i32
          %dma_wait3A_103 = arith.constant 0 : i32
          %dma_wait3A_104 = tpu.memref_slice %arg11[%rem3A_75, %dma_wait3A_102, %dma_wait3A_103] : memref<3x80x128xf32, #tpu.memory_space<vmem>> -> memref<1x80x128xf32, #tpu.memory_space<vmem>>
          %dma_wait3A_105 = tpu.memref_squeeze %dma_wait3A_104 : memref<1x80x128xf32, #tpu.memory_space<vmem>> -> memref<80x128xf32, #tpu.memory_space<vmem>>
          %dma_wait3A_106 = arith.constant 0 : i32
          %dma_wait3A_107 = tpu.memref_slice %arg10[%rem3A_75, %dma_wait3A_106] : memref<3x80xi32, #tpu.memory_space<vmem>> -> memref<1x80xi32, #tpu.memory_space<vmem>>
          %dma_wait3A_108 = tpu.memref_squeeze %dma_wait3A_107 : memref<1x80xi32, #tpu.memory_space<vmem>> -> memref<80xi32, #tpu.memory_space<vmem>>
          %dma_wait3A_109 = arith.constant 0 : i32
          %dma_wait3A_110 = arith.constant 0 : i32
          %dma_wait3A_111 = tpu.memref_slice %arg8[%dma_wait3A_109, %dma_wait3A_110] : memref<10240x128xf32, #tpu.memory_space<vmem_shared>> -> memref<10240x128xf32, #tpu.memory_space<vmem_shared>>
          %dma_wait3A_112 = tpu.memref_slice %arg14[%rem3A_75] : memref<3x!tpu.dma_semaphore, #tpu.memory_space<semaphore_mem>> -> memref<1x!tpu.dma_semaphore, #tpu.memory_space<semaphore_mem>>
          %dma_wait3A_113 = tpu.memref_squeeze %dma_wait3A_112 : memref<1x!tpu.dma_semaphore, #tpu.memory_space<semaphore_mem>> -> memref<!tpu.dma_semaphore, #tpu.memory_space<semaphore_mem>>
          tpu.wait_indirect_dma semaphore(%dma_wait3A_113 : memref<!tpu.dma_semaphore, #tpu.memory_space<semaphore_mem>>) src(%dma_wait3A_105 : memref<80x128xf32, #tpu.memory_space<vmem>>) dst(%dma_wait3A_111 : memref<10240x128xf32, #tpu.memory_space<vmem_shared>>)
        } else {
        }
        %mul3A_81 = arith.constant 80 : i32
        %mul3A_82 = arith.muli %scan3A_62, %mul3A_81 : i32
        %add3A_83 = arith.addi %mul3A_2, %mul3A_82 : i32
        %eq3A = arith.constant 0 : i32
        %eq3A_84 = arith.cmpi eq, %arg0, %eq3A : i32
        %convert_element_type3A_85 = arith.extui %eq3A_84 : i1 to i32
        %cond3A_86 = arith.constant 0 : i32
        %cond3A_87 = arith.cmpi ne, %convert_element_type3A_85, %cond3A_86 : i32
        scf.if %cond3A_87 {
          %dma_start3A_102 = arith.constant 0 : i32
          %dma_start3A_103 = tpu.memref_slice %arg9[%rem3A_75, %dma_start3A_102] : memref<3x80xi32, #tpu.memory_space<vmem>> -> memref<1x80xi32, #tpu.memory_space<vmem>>
          %dma_start3A_104 = tpu.memref_squeeze %dma_start3A_103 : memref<1x80xi32, #tpu.memory_space<vmem>> -> memref<80xi32, #tpu.memory_space<vmem>>
          %dma_start3A_105 = tpu.memref_slice %arg3[%add3A_83] : memref<320000xi32, #tpu.memory_space<hbm>> -> memref<80xi32, #tpu.memory_space<hbm>>
          %dma_start3A_106 = tpu.memref_slice %arg12[%rem3A_75] : memref<3x!tpu.dma_semaphore, #tpu.memory_space<semaphore_mem>> -> memref<1x!tpu.dma_semaphore, #tpu.memory_space<semaphore_mem>>
          %dma_start3A_107 = tpu.memref_squeeze %dma_start3A_106 : memref<1x!tpu.dma_semaphore, #tpu.memory_space<semaphore_mem>> -> memref<!tpu.dma_semaphore, #tpu.memory_space<semaphore_mem>>
          %dma_start3A_108 = arith.constant 0 : i32
          %dma_start3A_109 = tpu.memref_slice %arg9[%rem3A_75, %dma_start3A_108] : memref<3x80xi32, #tpu.memory_space<vmem>> -> memref<1x80xi32, #tpu.memory_space<vmem>>
          %dma_start3A_110 = tpu.memref_squeeze %dma_start3A_109 : memref<1x80xi32, #tpu.memory_space<vmem>> -> memref<80xi32, #tpu.memory_space<vmem>>
          %dma_start3A_111 = tpu.memref_slice %arg3[%add3A_83] : memref<320000xi32, #tpu.memory_space<hbm>> -> memref<80xi32, #tpu.memory_space<hbm>>
          tpu.enqueue_dma source(%dma_start3A_111 : memref<80xi32, #tpu.memory_space<hbm>>) target(%dma_start3A_110 : memref<80xi32, #tpu.memory_space<vmem>>) target_semaphore(%dma_start3A_107 : memref<!tpu.dma_semaphore, #tpu.memory_space<semaphore_mem>>)
        } else {
        }
        %eq3A_88 = arith.constant 1 : i32
        %eq3A_89 = arith.cmpi eq, %arg0, %eq3A_88 : i32
        %convert_element_type3A_90 = arith.extui %eq3A_89 : i1 to i32
        %cond3A_91 = arith.constant 0 : i32
        %cond3A_92 = arith.cmpi ne, %convert_element_type3A_90, %cond3A_91 : i32
        scf.if %cond3A_92 {
          %dma_start3A_102 = arith.constant 0 : i32
          %dma_start3A_103 = tpu.memref_slice %arg9[%rem3A_75, %dma_start3A_102] : memref<3x80xi32, #tpu.memory_space<vmem>> -> memref<1x80xi32, #tpu.memory_space<vmem>>
          %dma_start3A_104 = tpu.memref_squeeze %dma_start3A_103 : memref<1x80xi32, #tpu.memory_space<vmem>> -> memref<80xi32, #tpu.memory_space<vmem>>
          %dma_start3A_105 = tpu.memref_slice %arg4[%add3A_83] : memref<320000xi32, #tpu.memory_space<hbm>> -> memref<80xi32, #tpu.memory_space<hbm>>
          %dma_start3A_106 = tpu.memref_slice %arg12[%rem3A_75] : memref<3x!tpu.dma_semaphore, #tpu.memory_space<semaphore_mem>> -> memref<1x!tpu.dma_semaphore, #tpu.memory_space<semaphore_mem>>
          %dma_start3A_107 = tpu.memref_squeeze %dma_start3A_106 : memref<1x!tpu.dma_semaphore, #tpu.memory_space<semaphore_mem>> -> memref<!tpu.dma_semaphore, #tpu.memory_space<semaphore_mem>>
          %dma_start3A_108 = arith.constant 0 : i32
          %dma_start3A_109 = tpu.memref_slice %arg9[%rem3A_75, %dma_start3A_108] : memref<3x80xi32, #tpu.memory_space<vmem>> -> memref<1x80xi32, #tpu.memory_space<vmem>>
          %dma_start3A_110 = tpu.memref_squeeze %dma_start3A_109 : memref<1x80xi32, #tpu.memory_space<vmem>> -> memref<80xi32, #tpu.memory_space<vmem>>
          %dma_start3A_111 = tpu.memref_slice %arg4[%add3A_83] : memref<320000xi32, #tpu.memory_space<hbm>> -> memref<80xi32, #tpu.memory_space<hbm>>
          tpu.enqueue_dma source(%dma_start3A_111 : memref<80xi32, #tpu.memory_space<hbm>>) target(%dma_start3A_110 : memref<80xi32, #tpu.memory_space<vmem>>) target_semaphore(%dma_start3A_107 : memref<!tpu.dma_semaphore, #tpu.memory_space<semaphore_mem>>)
        } else {
        }
        %dma_start3A = arith.constant 0 : i32
        %dma_start3A_93 = tpu.memref_slice %arg10[%rem3A_75, %dma_start3A] : memref<3x80xi32, #tpu.memory_space<vmem>> -> memref<1x80xi32, #tpu.memory_space<vmem>>
        %dma_start3A_94 = tpu.memref_squeeze %dma_start3A_93 : memref<1x80xi32, #tpu.memory_space<vmem>> -> memref<80xi32, #tpu.memory_space<vmem>>
        %dma_start3A_95 = tpu.memref_slice %arg5[%add3A_83] : memref<320000xi32, #tpu.memory_space<hbm>> -> memref<80xi32, #tpu.memory_space<hbm>>
        %dma_start3A_96 = tpu.memref_slice %arg12[%rem3A_75] : memref<3x!tpu.dma_semaphore, #tpu.memory_space<semaphore_mem>> -> memref<1x!tpu.dma_semaphore, #tpu.memory_space<semaphore_mem>>
        %dma_start3A_97 = tpu.memref_squeeze %dma_start3A_96 : memref<1x!tpu.dma_semaphore, #tpu.memory_space<semaphore_mem>> -> memref<!tpu.dma_semaphore, #tpu.memory_space<semaphore_mem>>
        %dma_start3A_98 = arith.constant 0 : i32
        %dma_start3A_99 = tpu.memref_slice %arg10[%rem3A_75, %dma_start3A_98] : memref<3x80xi32, #tpu.memory_space<vmem>> -> memref<1x80xi32, #tpu.memory_space<vmem>>
        %dma_start3A_100 = tpu.memref_squeeze %dma_start3A_99 : memref<1x80xi32, #tpu.memory_space<vmem>> -> memref<80xi32, #tpu.memory_space<vmem>>
        %dma_start3A_101 = tpu.memref_slice %arg5[%add3A_83] : memref<320000xi32, #tpu.memory_space<hbm>> -> memref<80xi32, #tpu.memory_space<hbm>>
        tpu.enqueue_dma source(%dma_start3A_101 : memref<80xi32, #tpu.memory_space<hbm>>) target(%dma_start3A_100 : memref<80xi32, #tpu.memory_space<vmem>>) target_semaphore(%dma_start3A_97 : memref<!tpu.dma_semaphore, #tpu.memory_space<semaphore_mem>>)
      } else {
      }
      %ge3A = arith.constant 1 : i32
      %ge3A_65 = arith.cmpi sge, %scan3A_62, %ge3A : i32
      %le3A = arith.constant 125 : i32
      %le3A_66 = arith.cmpi sle, %scan3A_62, %le3A : i32
      %and3A = arith.andi %ge3A_65, %le3A_66 : i1
      %convert_element_type3A_67 = arith.extui %and3A : i1 to i32
      %cond3A_68 = arith.constant 0 : i32
      %cond3A_69 = arith.cmpi ne, %convert_element_type3A_67, %cond3A_68 : i32
      scf.if %cond3A_69 {
        %sub3A = arith.constant 1 : i32
        %sub3A_75 = arith.subi %scan3A_62, %sub3A : i32
        %rem3A = arith.constant 3 : i32
        %rem3A_76 = arith.remsi %sub3A_75, %rem3A : i32
        %dma_wait3A_77 = arith.constant 0 : i32
        %dma_wait3A_78 = tpu.memref_slice %arg9[%rem3A_76, %dma_wait3A_77] : memref<3x80xi32, #tpu.memory_space<vmem>> -> memref<1x80xi32, #tpu.memory_space<vmem>>
        %dma_wait3A_79 = tpu.memref_squeeze %dma_wait3A_78 : memref<1x80xi32, #tpu.memory_space<vmem>> -> memref<80xi32, #tpu.memory_space<vmem>>
        %dma_wait3A_80 = arith.constant 0 : i32
        %dma_wait3A_81 = tpu.memref_slice %arg5[%dma_wait3A_80] : memref<320000xi32, #tpu.memory_space<hbm>> -> memref<80xi32, #tpu.memory_space<hbm>>
        %dma_wait3A_82 = tpu.memref_slice %arg12[%rem3A_76] : memref<3x!tpu.dma_semaphore, #tpu.memory_space<semaphore_mem>> -> memref<1x!tpu.dma_semaphore, #tpu.memory_space<semaphore_mem>>
        %dma_wait3A_83 = tpu.memref_squeeze %dma_wait3A_82 : memref<1x!tpu.dma_semaphore, #tpu.memory_space<semaphore_mem>> -> memref<!tpu.dma_semaphore, #tpu.memory_space<semaphore_mem>>
        %dma_wait3A_84 = arith.constant 0 : i32
        %dma_wait3A_85 = tpu.memref_slice %arg9[%rem3A_76, %dma_wait3A_84] : memref<3x80xi32, #tpu.memory_space<vmem>> -> memref<1x80xi32, #tpu.memory_space<vmem>>
        %dma_wait3A_86 = tpu.memref_squeeze %dma_wait3A_85 : memref<1x80xi32, #tpu.memory_space<vmem>> -> memref<80xi32, #tpu.memory_space<vmem>>
        %dma_wait3A_87 = arith.constant 0 : i32
        %dma_wait3A_88 = tpu.memref_slice %arg5[%dma_wait3A_87] : memref<320000xi32, #tpu.memory_space<hbm>> -> memref<80xi32, #tpu.memory_space<hbm>>
        tpu.wait_dma2 semaphore(%dma_wait3A_83 : memref<!tpu.dma_semaphore, #tpu.memory_space<semaphore_mem>>) src(%dma_wait3A_88 : memref<80xi32, #tpu.memory_space<hbm>>) dst(%dma_wait3A_86 : memref<80xi32, #tpu.memory_space<vmem>>)
        %dma_wait3A_89 = arith.constant 0 : i32
        %dma_wait3A_90 = tpu.memref_slice %arg10[%rem3A_76, %dma_wait3A_89] : memref<3x80xi32, #tpu.memory_space<vmem>> -> memref<1x80xi32, #tpu.memory_space<vmem>>
        %dma_wait3A_91 = tpu.memref_squeeze %dma_wait3A_90 : memref<1x80xi32, #tpu.memory_space<vmem>> -> memref<80xi32, #tpu.memory_space<vmem>>
        %dma_wait3A_92 = arith.constant 0 : i32
        %dma_wait3A_93 = tpu.memref_slice %arg5[%dma_wait3A_92] : memref<320000xi32, #tpu.memory_space<hbm>> -> memref<80xi32, #tpu.memory_space<hbm>>
        %dma_wait3A_94 = tpu.memref_slice %arg12[%rem3A_76] : memref<3x!tpu.dma_semaphore, #tpu.memory_space<semaphore_mem>> -> memref<1x!tpu.dma_semaphore, #tpu.memory_space<semaphore_mem>>
        %dma_wait3A_95 = tpu.memref_squeeze %dma_wait3A_94 : memref<1x!tpu.dma_semaphore, #tpu.memory_space<semaphore_mem>> -> memref<!tpu.dma_semaphore, #tpu.memory_space<semaphore_mem>>
        %dma_wait3A_96 = arith.constant 0 : i32
        %dma_wait3A_97 = tpu.memref_slice %arg10[%rem3A_76, %dma_wait3A_96] : memref<3x80xi32, #tpu.memory_space<vmem>> -> memref<1x80xi32, #tpu.memory_space<vmem>>
        %dma_wait3A_98 = tpu.memref_squeeze %dma_wait3A_97 : memref<1x80xi32, #tpu.memory_space<vmem>> -> memref<80xi32, #tpu.memory_space<vmem>>
        %dma_wait3A_99 = arith.constant 0 : i32
        %dma_wait3A_100 = tpu.memref_slice %arg5[%dma_wait3A_99] : memref<320000xi32, #tpu.memory_space<hbm>> -> memref<80xi32, #tpu.memory_space<hbm>>
        tpu.wait_dma2 semaphore(%dma_wait3A_95 : memref<!tpu.dma_semaphore, #tpu.memory_space<semaphore_mem>>) src(%dma_wait3A_100 : memref<80xi32, #tpu.memory_space<hbm>>) dst(%dma_wait3A_98 : memref<80xi32, #tpu.memory_space<vmem>>)
        %dma_start3A = arith.constant 0 : i32
        %dma_start3A_101 = arith.constant 0 : i32
        %dma_start3A_102 = tpu.memref_slice %arg11[%rem3A_76, %dma_start3A, %dma_start3A_101] : memref<3x80x128xf32, #tpu.memory_space<vmem>> -> memref<1x80x128xf32, #tpu.memory_space<vmem>>
        %dma_start3A_103 = tpu.memref_squeeze %dma_start3A_102 : memref<1x80x128xf32, #tpu.memory_space<vmem>> -> memref<80x128xf32, #tpu.memory_space<vmem>>
        %dma_start3A_104 = arith.constant 0 : i32
        %dma_start3A_105 = tpu.memref_slice %arg9[%rem3A_76, %dma_start3A_104] : memref<3x80xi32, #tpu.memory_space<vmem>> -> memref<1x80xi32, #tpu.memory_space<vmem>>
        %dma_start3A_106 = tpu.memref_squeeze %dma_start3A_105 : memref<1x80xi32, #tpu.memory_space<vmem>> -> memref<80xi32, #tpu.memory_space<vmem>>
        %dma_start3A_107 = arith.constant 0 : i32
        %dma_start3A_108 = arith.constant 0 : i32
        %dma_start3A_109 = tpu.memref_slice %arg2[%dma_start3A_107, %dma_start3A_108] : memref<10000x128xf32, #tpu.memory_space<hbm>> -> memref<10000x128xf32, #tpu.memory_space<hbm>>
        %dma_start3A_110 = tpu.memref_slice %arg13[%rem3A_76] : memref<3x!tpu.dma_semaphore, #tpu.memory_space<semaphore_mem>> -> memref<1x!tpu.dma_semaphore, #tpu.memory_space<semaphore_mem>>
        %dma_start3A_111 = tpu.memref_squeeze %dma_start3A_110 : memref<1x!tpu.dma_semaphore, #tpu.memory_space<semaphore_mem>> -> memref<!tpu.dma_semaphore, #tpu.memory_space<semaphore_mem>>
        tpu.enqueue_indirect_dma source(%dma_start3A_109 : memref<10000x128xf32, #tpu.memory_space<hbm>>) target(%dma_start3A_103 : memref<80x128xf32, #tpu.memory_space<vmem>>) offsets(%dma_start3A_106 : memref<80xi32, #tpu.memory_space<vmem>>) semaphore(%dma_start3A_111 : memref<!tpu.dma_semaphore, #tpu.memory_space<semaphore_mem>>)
      } else {
      }
      %ge3A_70 = arith.constant 2 : i32
      %ge3A_71 = arith.cmpi sge, %scan3A_62, %ge3A_70 : i32
      %convert_element_type3A_72 = arith.extui %ge3A_71 : i1 to i32
      %cond3A_73 = arith.constant 0 : i32
      %cond3A_74 = arith.cmpi ne, %convert_element_type3A_72, %cond3A_73 : i32
      scf.if %cond3A_74 {
        %sub3A = arith.constant 2 : i32
        %sub3A_75 = arith.subi %scan3A_62, %sub3A : i32
        %rem3A = arith.constant 3 : i32
        %rem3A_76 = arith.remsi %sub3A_75, %rem3A : i32
        %dma_wait3A_77 = arith.constant 0 : i32
        %dma_wait3A_78 = arith.constant 0 : i32
        %dma_wait3A_79 = tpu.memref_slice %arg11[%rem3A_76, %dma_wait3A_77, %dma_wait3A_78] : memref<3x80x128xf32, #tpu.memory_space<vmem>> -> memref<1x80x128xf32, #tpu.memory_space<vmem>>
        %dma_wait3A_80 = tpu.memref_squeeze %dma_wait3A_79 : memref<1x80x128xf32, #tpu.memory_space<vmem>> -> memref<80x128xf32, #tpu.memory_space<vmem>>
        %dma_wait3A_81 = arith.constant 0 : i32
        %dma_wait3A_82 = tpu.memref_slice %arg9[%rem3A_76, %dma_wait3A_81] : memref<3x80xi32, #tpu.memory_space<vmem>> -> memref<1x80xi32, #tpu.memory_space<vmem>>
        %dma_wait3A_83 = tpu.memref_squeeze %dma_wait3A_82 : memref<1x80xi32, #tpu.memory_space<vmem>> -> memref<80xi32, #tpu.memory_space<vmem>>
        %dma_wait3A_84 = arith.constant 0 : i32
        %dma_wait3A_85 = arith.constant 0 : i32
        %dma_wait3A_86 = tpu.memref_slice %arg2[%dma_wait3A_84, %dma_wait3A_85] : memref<10000x128xf32, #tpu.memory_space<hbm>> -> memref<10000x128xf32, #tpu.memory_space<hbm>>
        %dma_wait3A_87 = tpu.memref_slice %arg13[%rem3A_76] : memref<3x!tpu.dma_semaphore, #tpu.memory_space<semaphore_mem>> -> memref<1x!tpu.dma_semaphore, #tpu.memory_space<semaphore_mem>>
        %dma_wait3A_88 = tpu.memref_squeeze %dma_wait3A_87 : memref<1x!tpu.dma_semaphore, #tpu.memory_space<semaphore_mem>> -> memref<!tpu.dma_semaphore, #tpu.memory_space<semaphore_mem>>
        tpu.wait_indirect_dma semaphore(%dma_wait3A_88 : memref<!tpu.dma_semaphore, #tpu.memory_space<semaphore_mem>>) src(%dma_wait3A_86 : memref<10000x128xf32, #tpu.memory_space<hbm>>) dst(%dma_wait3A_80 : memref<80x128xf32, #tpu.memory_space<vmem>>)
        %dma_start3A = arith.constant 0 : i32
        %dma_start3A_89 = arith.constant 0 : i32
        %dma_start3A_90 = tpu.memref_slice %arg11[%rem3A_76, %dma_start3A, %dma_start3A_89] : memref<3x80x128xf32, #tpu.memory_space<vmem>> -> memref<1x80x128xf32, #tpu.memory_space<vmem>>
        %dma_start3A_91 = tpu.memref_squeeze %dma_start3A_90 : memref<1x80x128xf32, #tpu.memory_space<vmem>> -> memref<80x128xf32, #tpu.memory_space<vmem>>
        %dma_start3A_92 = arith.constant 0 : i32
        %dma_start3A_93 = tpu.memref_slice %arg10[%rem3A_76, %dma_start3A_92] : memref<3x80xi32, #tpu.memory_space<vmem>> -> memref<1x80xi32, #tpu.memory_space<vmem>>
        %dma_start3A_94 = tpu.memref_squeeze %dma_start3A_93 : memref<1x80xi32, #tpu.memory_space<vmem>> -> memref<80xi32, #tpu.memory_space<vmem>>
        %dma_start3A_95 = arith.constant 0 : i32
        %dma_start3A_96 = arith.constant 0 : i32
        %dma_start3A_97 = tpu.memref_slice %arg8[%dma_start3A_95, %dma_start3A_96] : memref<10240x128xf32, #tpu.memory_space<vmem_shared>> -> memref<10240x128xf32, #tpu.memory_space<vmem_shared>>
        %dma_start3A_98 = tpu.memref_slice %arg14[%rem3A_76] : memref<3x!tpu.dma_semaphore, #tpu.memory_space<semaphore_mem>> -> memref<1x!tpu.dma_semaphore, #tpu.memory_space<semaphore_mem>>
        %dma_start3A_99 = tpu.memref_squeeze %dma_start3A_98 : memref<1x!tpu.dma_semaphore, #tpu.memory_space<semaphore_mem>> -> memref<!tpu.dma_semaphore, #tpu.memory_space<semaphore_mem>>
        tpu.enqueue_indirect_dma source(%dma_start3A_91 : memref<80x128xf32, #tpu.memory_space<vmem>>) target(%dma_start3A_97 : memref<10240x128xf32, #tpu.memory_space<vmem_shared>>) offsets(%dma_start3A_94 : memref<80xi32, #tpu.memory_space<vmem>>) semaphore(%dma_start3A_99 : memref<!tpu.dma_semaphore, #tpu.memory_space<semaphore_mem>>) {add = true}
      } else {
      }
    }
    %scan3A_9 = arith.constant 127 : i32
    %dma_wait3A = arith.constant 0 : i32
    %dma_wait3A_10 = arith.constant 0 : i32
    %dma_wait3A_11 = arith.constant 0 : i32
    %dma_wait3A_12 = arith.constant 0 : i32
    %dma_wait3A_13 = arith.constant 0 : i32
    %dma_wait3A_14 = tpu.memref_slice %arg11[%dma_wait3A, %dma_wait3A_12, %dma_wait3A_13] : memref<3x80x128xf32, #tpu.memory_space<vmem>> -> memref<1x80x128xf32, #tpu.memory_space<vmem>>
    %dma_wait3A_15 = tpu.memref_squeeze %dma_wait3A_14 : memref<1x80x128xf32, #tpu.memory_space<vmem>> -> memref<80x128xf32, #tpu.memory_space<vmem>>
    %dma_wait3A_16 = arith.constant 0 : i32
    %dma_wait3A_17 = tpu.memref_slice %arg10[%dma_wait3A_10, %dma_wait3A_16] : memref<3x80xi32, #tpu.memory_space<vmem>> -> memref<1x80xi32, #tpu.memory_space<vmem>>
    %dma_wait3A_18 = tpu.memref_squeeze %dma_wait3A_17 : memref<1x80xi32, #tpu.memory_space<vmem>> -> memref<80xi32, #tpu.memory_space<vmem>>
    %dma_wait3A_19 = arith.constant 0 : i32
    %dma_wait3A_20 = arith.constant 0 : i32
    %dma_wait3A_21 = tpu.memref_slice %arg8[%dma_wait3A_19, %dma_wait3A_20] : memref<10240x128xf32, #tpu.memory_space<vmem_shared>> -> memref<10240x128xf32, #tpu.memory_space<vmem_shared>>
    %dma_wait3A_22 = tpu.memref_slice %arg14[%dma_wait3A_11] : memref<3x!tpu.dma_semaphore, #tpu.memory_space<semaphore_mem>> -> memref<1x!tpu.dma_semaphore, #tpu.memory_space<semaphore_mem>>
    %dma_wait3A_23 = tpu.memref_squeeze %dma_wait3A_22 : memref<1x!tpu.dma_semaphore, #tpu.memory_space<semaphore_mem>> -> memref<!tpu.dma_semaphore, #tpu.memory_space<semaphore_mem>>
    tpu.wait_indirect_dma semaphore(%dma_wait3A_23 : memref<!tpu.dma_semaphore, #tpu.memory_space<semaphore_mem>>) src(%dma_wait3A_15 : memref<80x128xf32, #tpu.memory_space<vmem>>) dst(%dma_wait3A_21 : memref<10240x128xf32, #tpu.memory_space<vmem_shared>>)
    %dma_wait3A_24 = arith.constant 1 : i32
    %dma_wait3A_25 = arith.constant 1 : i32
    %dma_wait3A_26 = arith.constant 1 : i32
    %dma_wait3A_27 = arith.constant 0 : i32
    %dma_wait3A_28 = arith.constant 0 : i32
    %dma_wait3A_29 = tpu.memref_slice %arg11[%dma_wait3A_24, %dma_wait3A_27, %dma_wait3A_28] : memref<3x80x128xf32, #tpu.memory_space<vmem>> -> memref<1x80x128xf32, #tpu.memory_space<vmem>>
    %dma_wait3A_30 = tpu.memref_squeeze %dma_wait3A_29 : memref<1x80x128xf32, #tpu.memory_space<vmem>> -> memref<80x128xf32, #tpu.memory_space<vmem>>
    %dma_wait3A_31 = arith.constant 0 : i32
    %dma_wait3A_32 = tpu.memref_slice %arg10[%dma_wait3A_25, %dma_wait3A_31] : memref<3x80xi32, #tpu.memory_space<vmem>> -> memref<1x80xi32, #tpu.memory_space<vmem>>
    %dma_wait3A_33 = tpu.memref_squeeze %dma_wait3A_32 : memref<1x80xi32, #tpu.memory_space<vmem>> -> memref<80xi32, #tpu.memory_space<vmem>>
    %dma_wait3A_34 = arith.constant 0 : i32
    %dma_wait3A_35 = arith.constant 0 : i32
    %dma_wait3A_36 = tpu.memref_slice %arg8[%dma_wait3A_34, %dma_wait3A_35] : memref<10240x128xf32, #tpu.memory_space<vmem_shared>> -> memref<10240x128xf32, #tpu.memory_space<vmem_shared>>
    %dma_wait3A_37 = tpu.memref_slice %arg14[%dma_wait3A_26] : memref<3x!tpu.dma_semaphore, #tpu.memory_space<semaphore_mem>> -> memref<1x!tpu.dma_semaphore, #tpu.memory_space<semaphore_mem>>
    %dma_wait3A_38 = tpu.memref_squeeze %dma_wait3A_37 : memref<1x!tpu.dma_semaphore, #tpu.memory_space<semaphore_mem>> -> memref<!tpu.dma_semaphore, #tpu.memory_space<semaphore_mem>>
    tpu.wait_indirect_dma semaphore(%dma_wait3A_38 : memref<!tpu.dma_semaphore, #tpu.memory_space<semaphore_mem>>) src(%dma_wait3A_30 : memref<80x128xf32, #tpu.memory_space<vmem>>) dst(%dma_wait3A_36 : memref<10240x128xf32, #tpu.memory_space<vmem_shared>>)
    %dma_wait3A_39 = arith.constant 2 : i32
    %dma_wait3A_40 = arith.constant 2 : i32
    %dma_wait3A_41 = arith.constant 2 : i32
    %dma_wait3A_42 = arith.constant 0 : i32
    %dma_wait3A_43 = arith.constant 0 : i32
    %dma_wait3A_44 = tpu.memref_slice %arg11[%dma_wait3A_39, %dma_wait3A_42, %dma_wait3A_43] : memref<3x80x128xf32, #tpu.memory_space<vmem>> -> memref<1x80x128xf32, #tpu.memory_space<vmem>>
    %dma_wait3A_45 = tpu.memref_squeeze %dma_wait3A_44 : memref<1x80x128xf32, #tpu.memory_space<vmem>> -> memref<80x128xf32, #tpu.memory_space<vmem>>
    %dma_wait3A_46 = arith.constant 0 : i32
    %dma_wait3A_47 = tpu.memref_slice %arg10[%dma_wait3A_40, %dma_wait3A_46] : memref<3x80xi32, #tpu.memory_space<vmem>> -> memref<1x80xi32, #tpu.memory_space<vmem>>
    %dma_wait3A_48 = tpu.memref_squeeze %dma_wait3A_47 : memref<1x80xi32, #tpu.memory_space<vmem>> -> memref<80xi32, #tpu.memory_space<vmem>>
    %dma_wait3A_49 = arith.constant 0 : i32
    %dma_wait3A_50 = arith.constant 0 : i32
    %dma_wait3A_51 = tpu.memref_slice %arg8[%dma_wait3A_49, %dma_wait3A_50] : memref<10240x128xf32, #tpu.memory_space<vmem_shared>> -> memref<10240x128xf32, #tpu.memory_space<vmem_shared>>
    %dma_wait3A_52 = tpu.memref_slice %arg14[%dma_wait3A_41] : memref<3x!tpu.dma_semaphore, #tpu.memory_space<semaphore_mem>> -> memref<1x!tpu.dma_semaphore, #tpu.memory_space<semaphore_mem>>
    %dma_wait3A_53 = tpu.memref_squeeze %dma_wait3A_52 : memref<1x!tpu.dma_semaphore, #tpu.memory_space<semaphore_mem>> -> memref<!tpu.dma_semaphore, #tpu.memory_space<semaphore_mem>>
    tpu.wait_indirect_dma semaphore(%dma_wait3A_53 : memref<!tpu.dma_semaphore, #tpu.memory_space<semaphore_mem>>) src(%dma_wait3A_45 : memref<80x128xf32, #tpu.memory_space<vmem>>) dst(%dma_wait3A_51 : memref<10240x128xf32, #tpu.memory_space<vmem_shared>>)
    %barrier3A_54 = arith.constant 0 : index
    tpu.barrier barrier_id(%barrier3A_54)
    %mul3A_55 = arith.constant 640 : i32
    %mul3A_56 = arith.muli %arg1, %mul3A_55 : i32
    %mul3A_57 = arith.constant 10240 : i32
    %mul3A_58 = arith.muli %arg0, %mul3A_57 : i32
    %mul3A_59 = arith.constant 640 : i32
    %mul3A_60 = arith.muli %arg1, %mul3A_59 : i32
    %add3A_61 = arith.addi %mul3A_58, %mul3A_60 : i32
    "tpu.region"() ({
      %run_scoped3A = tpu.sem_alloc : memref<!tpu.dma_semaphore, #tpu.memory_space<semaphore_mem>>
      %dma_start3A = arith.constant 0 : i32
      %dma_start3A_62 = tpu.memref_slice %arg7[%add3A_61, %dma_start3A] : memref<20480x128xf32, #tpu.memory_space<hbm>> -> memref<640x128xf32, #tpu.memory_space<hbm>>
      %dma_start3A_63 = arith.constant 0 : i32
      %dma_start3A_64 = tpu.memref_slice %arg8[%mul3A_56, %dma_start3A_63] : memref<10240x128xf32, #tpu.memory_space<vmem_shared>> -> memref<640x128xf32, #tpu.memory_space<vmem_shared>>
      tpu.enqueue_dma source(%dma_start3A_64 : memref<640x128xf32, #tpu.memory_space<vmem_shared>>) target(%dma_start3A_62 : memref<640x128xf32, #tpu.memory_space<hbm>>) target_semaphore(%run_scoped3A : memref<!tpu.dma_semaphore, #tpu.memory_space<semaphore_mem>>)
      %dma_wait3A_65 = arith.constant 0 : i32
      %dma_wait3A_66 = tpu.memref_slice %arg7[%add3A_61, %dma_wait3A_65] : memref<20480x128xf32, #tpu.memory_space<hbm>> -> memref<640x128xf32, #tpu.memory_space<hbm>>
      %dma_wait3A_67 = arith.constant 0 : i32
      %dma_wait3A_68 = tpu.memref_slice %arg8[%mul3A_56, %dma_wait3A_67] : memref<10240x128xf32, #tpu.memory_space<vmem_shared>> -> memref<640x128xf32, #tpu.memory_space<vmem_shared>>
      tpu.wait_dma2 semaphore(%run_scoped3A : memref<!tpu.dma_semaphore, #tpu.memory_space<semaphore_mem>>) src(%dma_wait3A_68 : memref<640x128xf32, #tpu.memory_space<vmem_shared>>) dst(%dma_wait3A_66 : memref<640x128xf32, #tpu.memory_space<hbm>>)
      tpu.yield
    }) : () -> ()
    return
  }
}

#map = affine_map<(d0, d1) -> (0, 0)>
#map1 = affine_map<(d0, d1) -> (0)>
module attributes {stable_mosaic.version = 14 : i64} {
  func.func @kedge(%arg0: i32, %arg1: i32, %arg2: memref<20000x128xf32, #tpu.memory_space<hbm>>, %arg3: memref<320000xi32, #tpu.memory_space<hbm>>, %arg4: memref<320000xi32, #tpu.memory_space<hbm>>, %arg5: memref<320000xi32, #tpu.memory_space<hbm>>, %arg6: memref<640x128xf32, #tpu.memory_space<hbm>>, %arg7: memref<20480x128xf32, #tpu.memory_space<hbm>>, %arg8: memref<10240x128xf32, #tpu.memory_space<vmem_shared>>, %arg9: memref<3x80xi32, #tpu.memory_space<vmem>>, %arg10: memref<3x80xi32, #tpu.memory_space<vmem>>, %arg11: memref<3x80x128xf32, #tpu.memory_space<vmem>>, %arg12: memref<3x!tpu.dma_semaphore, #tpu.memory_space<semaphore_mem>>, %arg13: memref<3x!tpu.dma_semaphore, #tpu.memory_space<semaphore_mem>>, %arg14: memref<3x!tpu.dma_semaphore, #tpu.memory_space<semaphore_mem>>) attributes {dimension_semantics = [#tpu.dimension_semantics<core_parallel>, #tpu.dimension_semantics<subcore_parallel>], iteration_bounds = array<i64: 2, 16>, scalar_prefetch = 0 : i64, scratch_operands = 7 : i64, tpu.core_type = #tpu.core_type<sc_vector_subcore>, window_params = [{transform_indices = #map}, {transform_indices = #map1}, {transform_indices = #map1}, {transform_indices = #map1}, {transform_indices = #map}, {transform_indices = #map}]} {
    %mul3A = arith.constant 20000 : i32
    %mul3A_0 = arith.muli %arg1, %mul3A : i32
    %mul3A_1 = arith.constant 640 : i32
    %mul3A_2 = arith.muli %arg1, %mul3A_1 : i32
    "tpu.region"() ({
      %run_scoped3A = tpu.sem_alloc : memref<!tpu.dma_semaphore, #tpu.memory_space<semaphore_mem>>
      %dma_start3A = arith.constant 0 : i32
      %dma_start3A_59 = tpu.memref_slice %arg8[%mul3A_2, %dma_start3A] : memref<10240x128xf32, #tpu.memory_space<vmem_shared>> -> memref<640x128xf32, #tpu.memory_space<vmem_shared>>
      tpu.enqueue_dma source(%arg6 : memref<640x128xf32, #tpu.memory_space<hbm>>) target(%dma_start3A_59 : memref<640x128xf32, #tpu.memory_space<vmem_shared>>) target_semaphore(%run_scoped3A : memref<!tpu.dma_semaphore, #tpu.memory_space<semaphore_mem>>)
      %dma_wait3A_60 = arith.constant 0 : i32
      %dma_wait3A_61 = tpu.memref_slice %arg8[%mul3A_2, %dma_wait3A_60] : memref<10240x128xf32, #tpu.memory_space<vmem_shared>> -> memref<640x128xf32, #tpu.memory_space<vmem_shared>>
      tpu.wait_dma2 semaphore(%run_scoped3A : memref<!tpu.dma_semaphore, #tpu.memory_space<semaphore_mem>>) src(%arg6 : memref<640x128xf32, #tpu.memory_space<hbm>>) dst(%dma_wait3A_61 : memref<640x128xf32, #tpu.memory_space<vmem_shared>>)
      tpu.yield
    }) : () -> ()
    %barrier3A = arith.constant 0 : index
    tpu.barrier barrier_id(%barrier3A)
    %scan3A = arith.constant 0 : i32
    %scan3A_3 = arith.constant 0 : i32
    %scan3A_4 = arith.constant 252 : i32
    %scan3A_5 = arith.addi %scan3A_3, %scan3A_4 : i32
    %scan3A_6 = arith.constant 1 : i32
    scf.for %scan3A_59 = %scan3A_3 to %scan3A_5 step %scan3A_6  : i32 {
      %lt3A = arith.constant 250 : i32
      %lt3A_60 = arith.cmpi slt, %scan3A_59, %lt3A : i32
      %convert_element_type3A = arith.extui %lt3A_60 : i1 to i32
      %cond3A = arith.constant 0 : i32
      %cond3A_61 = arith.cmpi ne, %convert_element_type3A, %cond3A : i32
      scf.if %cond3A_61 {
        %rem3A = arith.constant 3 : i32
        %rem3A_72 = arith.remsi %scan3A_59, %rem3A : i32
        %ge3A_73 = arith.constant 3 : i32
        %ge3A_74 = arith.cmpi sge, %scan3A_59, %ge3A_73 : i32
        %convert_element_type3A_75 = arith.extui %ge3A_74 : i1 to i32
        %cond3A_76 = arith.constant 0 : i32
        %cond3A_77 = arith.cmpi ne, %convert_element_type3A_75, %cond3A_76 : i32
        scf.if %cond3A_77 {
          %dma_wait3A_99 = arith.constant 0 : i32
          %dma_wait3A_100 = arith.constant 0 : i32
          %dma_wait3A_101 = tpu.memref_slice %arg11[%rem3A_72, %dma_wait3A_99, %dma_wait3A_100] : memref<3x80x128xf32, #tpu.memory_space<vmem>> -> memref<1x80x128xf32, #tpu.memory_space<vmem>>
          %dma_wait3A_102 = tpu.memref_squeeze %dma_wait3A_101 : memref<1x80x128xf32, #tpu.memory_space<vmem>> -> memref<80x128xf32, #tpu.memory_space<vmem>>
          %dma_wait3A_103 = arith.constant 0 : i32
          %dma_wait3A_104 = tpu.memref_slice %arg10[%rem3A_72, %dma_wait3A_103] : memref<3x80xi32, #tpu.memory_space<vmem>> -> memref<1x80xi32, #tpu.memory_space<vmem>>
          %dma_wait3A_105 = tpu.memref_squeeze %dma_wait3A_104 : memref<1x80xi32, #tpu.memory_space<vmem>> -> memref<80xi32, #tpu.memory_space<vmem>>
          %dma_wait3A_106 = arith.constant 0 : i32
          %dma_wait3A_107 = arith.constant 0 : i32
          %dma_wait3A_108 = tpu.memref_slice %arg8[%dma_wait3A_106, %dma_wait3A_107] : memref<10240x128xf32, #tpu.memory_space<vmem_shared>> -> memref<10240x128xf32, #tpu.memory_space<vmem_shared>>
          %dma_wait3A_109 = tpu.memref_slice %arg14[%rem3A_72] : memref<3x!tpu.dma_semaphore, #tpu.memory_space<semaphore_mem>> -> memref<1x!tpu.dma_semaphore, #tpu.memory_space<semaphore_mem>>
          %dma_wait3A_110 = tpu.memref_squeeze %dma_wait3A_109 : memref<1x!tpu.dma_semaphore, #tpu.memory_space<semaphore_mem>> -> memref<!tpu.dma_semaphore, #tpu.memory_space<semaphore_mem>>
          tpu.wait_indirect_dma semaphore(%dma_wait3A_110 : memref<!tpu.dma_semaphore, #tpu.memory_space<semaphore_mem>>) src(%dma_wait3A_102 : memref<80x128xf32, #tpu.memory_space<vmem>>) dst(%dma_wait3A_108 : memref<10240x128xf32, #tpu.memory_space<vmem_shared>>)
        } else {
        }
        %mul3A_78 = arith.constant 80 : i32
        %mul3A_79 = arith.muli %scan3A_59, %mul3A_78 : i32
        %add3A_80 = arith.addi %mul3A_0, %mul3A_79 : i32
        %eq3A = arith.constant 0 : i32
        %eq3A_81 = arith.cmpi eq, %arg0, %eq3A : i32
        %convert_element_type3A_82 = arith.extui %eq3A_81 : i1 to i32
        %cond3A_83 = arith.constant 0 : i32
        %cond3A_84 = arith.cmpi ne, %convert_element_type3A_82, %cond3A_83 : i32
        scf.if %cond3A_84 {
          %dma_start3A_99 = arith.constant 0 : i32
          %dma_start3A_100 = tpu.memref_slice %arg9[%rem3A_72, %dma_start3A_99] : memref<3x80xi32, #tpu.memory_space<vmem>> -> memref<1x80xi32, #tpu.memory_space<vmem>>
          %dma_start3A_101 = tpu.memref_squeeze %dma_start3A_100 : memref<1x80xi32, #tpu.memory_space<vmem>> -> memref<80xi32, #tpu.memory_space<vmem>>
          %dma_start3A_102 = tpu.memref_slice %arg3[%add3A_80] : memref<320000xi32, #tpu.memory_space<hbm>> -> memref<80xi32, #tpu.memory_space<hbm>>
          %dma_start3A_103 = tpu.memref_slice %arg12[%rem3A_72] : memref<3x!tpu.dma_semaphore, #tpu.memory_space<semaphore_mem>> -> memref<1x!tpu.dma_semaphore, #tpu.memory_space<semaphore_mem>>
          %dma_start3A_104 = tpu.memref_squeeze %dma_start3A_103 : memref<1x!tpu.dma_semaphore, #tpu.memory_space<semaphore_mem>> -> memref<!tpu.dma_semaphore, #tpu.memory_space<semaphore_mem>>
          %dma_start3A_105 = arith.constant 0 : i32
          %dma_start3A_106 = tpu.memref_slice %arg9[%rem3A_72, %dma_start3A_105] : memref<3x80xi32, #tpu.memory_space<vmem>> -> memref<1x80xi32, #tpu.memory_space<vmem>>
          %dma_start3A_107 = tpu.memref_squeeze %dma_start3A_106 : memref<1x80xi32, #tpu.memory_space<vmem>> -> memref<80xi32, #tpu.memory_space<vmem>>
          %dma_start3A_108 = tpu.memref_slice %arg3[%add3A_80] : memref<320000xi32, #tpu.memory_space<hbm>> -> memref<80xi32, #tpu.memory_space<hbm>>
          tpu.enqueue_dma source(%dma_start3A_108 : memref<80xi32, #tpu.memory_space<hbm>>) target(%dma_start3A_107 : memref<80xi32, #tpu.memory_space<vmem>>) target_semaphore(%dma_start3A_104 : memref<!tpu.dma_semaphore, #tpu.memory_space<semaphore_mem>>)
        } else {
        }
        %eq3A_85 = arith.constant 1 : i32
        %eq3A_86 = arith.cmpi eq, %arg0, %eq3A_85 : i32
        %convert_element_type3A_87 = arith.extui %eq3A_86 : i1 to i32
        %cond3A_88 = arith.constant 0 : i32
        %cond3A_89 = arith.cmpi ne, %convert_element_type3A_87, %cond3A_88 : i32
        scf.if %cond3A_89 {
          %dma_start3A_99 = arith.constant 0 : i32
          %dma_start3A_100 = tpu.memref_slice %arg9[%rem3A_72, %dma_start3A_99] : memref<3x80xi32, #tpu.memory_space<vmem>> -> memref<1x80xi32, #tpu.memory_space<vmem>>
          %dma_start3A_101 = tpu.memref_squeeze %dma_start3A_100 : memref<1x80xi32, #tpu.memory_space<vmem>> -> memref<80xi32, #tpu.memory_space<vmem>>
          %dma_start3A_102 = tpu.memref_slice %arg4[%add3A_80] : memref<320000xi32, #tpu.memory_space<hbm>> -> memref<80xi32, #tpu.memory_space<hbm>>
          %dma_start3A_103 = tpu.memref_slice %arg12[%rem3A_72] : memref<3x!tpu.dma_semaphore, #tpu.memory_space<semaphore_mem>> -> memref<1x!tpu.dma_semaphore, #tpu.memory_space<semaphore_mem>>
          %dma_start3A_104 = tpu.memref_squeeze %dma_start3A_103 : memref<1x!tpu.dma_semaphore, #tpu.memory_space<semaphore_mem>> -> memref<!tpu.dma_semaphore, #tpu.memory_space<semaphore_mem>>
          %dma_start3A_105 = arith.constant 0 : i32
          %dma_start3A_106 = tpu.memref_slice %arg9[%rem3A_72, %dma_start3A_105] : memref<3x80xi32, #tpu.memory_space<vmem>> -> memref<1x80xi32, #tpu.memory_space<vmem>>
          %dma_start3A_107 = tpu.memref_squeeze %dma_start3A_106 : memref<1x80xi32, #tpu.memory_space<vmem>> -> memref<80xi32, #tpu.memory_space<vmem>>
          %dma_start3A_108 = tpu.memref_slice %arg4[%add3A_80] : memref<320000xi32, #tpu.memory_space<hbm>> -> memref<80xi32, #tpu.memory_space<hbm>>
          tpu.enqueue_dma source(%dma_start3A_108 : memref<80xi32, #tpu.memory_space<hbm>>) target(%dma_start3A_107 : memref<80xi32, #tpu.memory_space<vmem>>) target_semaphore(%dma_start3A_104 : memref<!tpu.dma_semaphore, #tpu.memory_space<semaphore_mem>>)
        } else {
        }
        %dma_start3A = arith.constant 0 : i32
        %dma_start3A_90 = tpu.memref_slice %arg10[%rem3A_72, %dma_start3A] : memref<3x80xi32, #tpu.memory_space<vmem>> -> memref<1x80xi32, #tpu.memory_space<vmem>>
        %dma_start3A_91 = tpu.memref_squeeze %dma_start3A_90 : memref<1x80xi32, #tpu.memory_space<vmem>> -> memref<80xi32, #tpu.memory_space<vmem>>
        %dma_start3A_92 = tpu.memref_slice %arg5[%add3A_80] : memref<320000xi32, #tpu.memory_space<hbm>> -> memref<80xi32, #tpu.memory_space<hbm>>
        %dma_start3A_93 = tpu.memref_slice %arg12[%rem3A_72] : memref<3x!tpu.dma_semaphore, #tpu.memory_space<semaphore_mem>> -> memref<1x!tpu.dma_semaphore, #tpu.memory_space<semaphore_mem>>
        %dma_start3A_94 = tpu.memref_squeeze %dma_start3A_93 : memref<1x!tpu.dma_semaphore, #tpu.memory_space<semaphore_mem>> -> memref<!tpu.dma_semaphore, #tpu.memory_space<semaphore_mem>>
        %dma_start3A_95 = arith.constant 0 : i32
        %dma_start3A_96 = tpu.memref_slice %arg10[%rem3A_72, %dma_start3A_95] : memref<3x80xi32, #tpu.memory_space<vmem>> -> memref<1x80xi32, #tpu.memory_space<vmem>>
        %dma_start3A_97 = tpu.memref_squeeze %dma_start3A_96 : memref<1x80xi32, #tpu.memory_space<vmem>> -> memref<80xi32, #tpu.memory_space<vmem>>
        %dma_start3A_98 = tpu.memref_slice %arg5[%add3A_80] : memref<320000xi32, #tpu.memory_space<hbm>> -> memref<80xi32, #tpu.memory_space<hbm>>
        tpu.enqueue_dma source(%dma_start3A_98 : memref<80xi32, #tpu.memory_space<hbm>>) target(%dma_start3A_97 : memref<80xi32, #tpu.memory_space<vmem>>) target_semaphore(%dma_start3A_94 : memref<!tpu.dma_semaphore, #tpu.memory_space<semaphore_mem>>)
      } else {
      }
      %ge3A = arith.constant 1 : i32
      %ge3A_62 = arith.cmpi sge, %scan3A_59, %ge3A : i32
      %le3A = arith.constant 250 : i32
      %le3A_63 = arith.cmpi sle, %scan3A_59, %le3A : i32
      %and3A = arith.andi %ge3A_62, %le3A_63 : i1
      %convert_element_type3A_64 = arith.extui %and3A : i1 to i32
      %cond3A_65 = arith.constant 0 : i32
      %cond3A_66 = arith.cmpi ne, %convert_element_type3A_64, %cond3A_65 : i32
      scf.if %cond3A_66 {
        %sub3A = arith.constant 1 : i32
        %sub3A_72 = arith.subi %scan3A_59, %sub3A : i32
        %rem3A = arith.constant 3 : i32
        %rem3A_73 = arith.remsi %sub3A_72, %rem3A : i32
        %dma_wait3A_74 = arith.constant 0 : i32
        %dma_wait3A_75 = tpu.memref_slice %arg9[%rem3A_73, %dma_wait3A_74] : memref<3x80xi32, #tpu.memory_space<vmem>> -> memref<1x80xi32, #tpu.memory_space<vmem>>
        %dma_wait3A_76 = tpu.memref_squeeze %dma_wait3A_75 : memref<1x80xi32, #tpu.memory_space<vmem>> -> memref<80xi32, #tpu.memory_space<vmem>>
        %dma_wait3A_77 = arith.constant 0 : i32
        %dma_wait3A_78 = tpu.memref_slice %arg5[%dma_wait3A_77] : memref<320000xi32, #tpu.memory_space<hbm>> -> memref<80xi32, #tpu.memory_space<hbm>>
        %dma_wait3A_79 = tpu.memref_slice %arg12[%rem3A_73] : memref<3x!tpu.dma_semaphore, #tpu.memory_space<semaphore_mem>> -> memref<1x!tpu.dma_semaphore, #tpu.memory_space<semaphore_mem>>
        %dma_wait3A_80 = tpu.memref_squeeze %dma_wait3A_79 : memref<1x!tpu.dma_semaphore, #tpu.memory_space<semaphore_mem>> -> memref<!tpu.dma_semaphore, #tpu.memory_space<semaphore_mem>>
        %dma_wait3A_81 = arith.constant 0 : i32
        %dma_wait3A_82 = tpu.memref_slice %arg9[%rem3A_73, %dma_wait3A_81] : memref<3x80xi32, #tpu.memory_space<vmem>> -> memref<1x80xi32, #tpu.memory_space<vmem>>
        %dma_wait3A_83 = tpu.memref_squeeze %dma_wait3A_82 : memref<1x80xi32, #tpu.memory_space<vmem>> -> memref<80xi32, #tpu.memory_space<vmem>>
        %dma_wait3A_84 = arith.constant 0 : i32
        %dma_wait3A_85 = tpu.memref_slice %arg5[%dma_wait3A_84] : memref<320000xi32, #tpu.memory_space<hbm>> -> memref<80xi32, #tpu.memory_space<hbm>>
        tpu.wait_dma2 semaphore(%dma_wait3A_80 : memref<!tpu.dma_semaphore, #tpu.memory_space<semaphore_mem>>) src(%dma_wait3A_85 : memref<80xi32, #tpu.memory_space<hbm>>) dst(%dma_wait3A_83 : memref<80xi32, #tpu.memory_space<vmem>>)
        %dma_wait3A_86 = arith.constant 0 : i32
        %dma_wait3A_87 = tpu.memref_slice %arg10[%rem3A_73, %dma_wait3A_86] : memref<3x80xi32, #tpu.memory_space<vmem>> -> memref<1x80xi32, #tpu.memory_space<vmem>>
        %dma_wait3A_88 = tpu.memref_squeeze %dma_wait3A_87 : memref<1x80xi32, #tpu.memory_space<vmem>> -> memref<80xi32, #tpu.memory_space<vmem>>
        %dma_wait3A_89 = arith.constant 0 : i32
        %dma_wait3A_90 = tpu.memref_slice %arg5[%dma_wait3A_89] : memref<320000xi32, #tpu.memory_space<hbm>> -> memref<80xi32, #tpu.memory_space<hbm>>
        %dma_wait3A_91 = tpu.memref_slice %arg12[%rem3A_73] : memref<3x!tpu.dma_semaphore, #tpu.memory_space<semaphore_mem>> -> memref<1x!tpu.dma_semaphore, #tpu.memory_space<semaphore_mem>>
        %dma_wait3A_92 = tpu.memref_squeeze %dma_wait3A_91 : memref<1x!tpu.dma_semaphore, #tpu.memory_space<semaphore_mem>> -> memref<!tpu.dma_semaphore, #tpu.memory_space<semaphore_mem>>
        %dma_wait3A_93 = arith.constant 0 : i32
        %dma_wait3A_94 = tpu.memref_slice %arg10[%rem3A_73, %dma_wait3A_93] : memref<3x80xi32, #tpu.memory_space<vmem>> -> memref<1x80xi32, #tpu.memory_space<vmem>>
        %dma_wait3A_95 = tpu.memref_squeeze %dma_wait3A_94 : memref<1x80xi32, #tpu.memory_space<vmem>> -> memref<80xi32, #tpu.memory_space<vmem>>
        %dma_wait3A_96 = arith.constant 0 : i32
        %dma_wait3A_97 = tpu.memref_slice %arg5[%dma_wait3A_96] : memref<320000xi32, #tpu.memory_space<hbm>> -> memref<80xi32, #tpu.memory_space<hbm>>
        tpu.wait_dma2 semaphore(%dma_wait3A_92 : memref<!tpu.dma_semaphore, #tpu.memory_space<semaphore_mem>>) src(%dma_wait3A_97 : memref<80xi32, #tpu.memory_space<hbm>>) dst(%dma_wait3A_95 : memref<80xi32, #tpu.memory_space<vmem>>)
        %dma_start3A = arith.constant 0 : i32
        %dma_start3A_98 = arith.constant 0 : i32
        %dma_start3A_99 = tpu.memref_slice %arg11[%rem3A_73, %dma_start3A, %dma_start3A_98] : memref<3x80x128xf32, #tpu.memory_space<vmem>> -> memref<1x80x128xf32, #tpu.memory_space<vmem>>
        %dma_start3A_100 = tpu.memref_squeeze %dma_start3A_99 : memref<1x80x128xf32, #tpu.memory_space<vmem>> -> memref<80x128xf32, #tpu.memory_space<vmem>>
        %dma_start3A_101 = arith.constant 0 : i32
        %dma_start3A_102 = tpu.memref_slice %arg9[%rem3A_73, %dma_start3A_101] : memref<3x80xi32, #tpu.memory_space<vmem>> -> memref<1x80xi32, #tpu.memory_space<vmem>>
        %dma_start3A_103 = tpu.memref_squeeze %dma_start3A_102 : memref<1x80xi32, #tpu.memory_space<vmem>> -> memref<80xi32, #tpu.memory_space<vmem>>
        %dma_start3A_104 = arith.constant 0 : i32
        %dma_start3A_105 = arith.constant 0 : i32
        %dma_start3A_106 = tpu.memref_slice %arg2[%dma_start3A_104, %dma_start3A_105] : memref<20000x128xf32, #tpu.memory_space<hbm>> -> memref<20000x128xf32, #tpu.memory_space<hbm>>
        %dma_start3A_107 = tpu.memref_slice %arg13[%rem3A_73] : memref<3x!tpu.dma_semaphore, #tpu.memory_space<semaphore_mem>> -> memref<1x!tpu.dma_semaphore, #tpu.memory_space<semaphore_mem>>
        %dma_start3A_108 = tpu.memref_squeeze %dma_start3A_107 : memref<1x!tpu.dma_semaphore, #tpu.memory_space<semaphore_mem>> -> memref<!tpu.dma_semaphore, #tpu.memory_space<semaphore_mem>>
        tpu.enqueue_indirect_dma source(%dma_start3A_106 : memref<20000x128xf32, #tpu.memory_space<hbm>>) target(%dma_start3A_100 : memref<80x128xf32, #tpu.memory_space<vmem>>) offsets(%dma_start3A_103 : memref<80xi32, #tpu.memory_space<vmem>>) semaphore(%dma_start3A_108 : memref<!tpu.dma_semaphore, #tpu.memory_space<semaphore_mem>>)
      } else {
      }
      %ge3A_67 = arith.constant 2 : i32
      %ge3A_68 = arith.cmpi sge, %scan3A_59, %ge3A_67 : i32
      %convert_element_type3A_69 = arith.extui %ge3A_68 : i1 to i32
      %cond3A_70 = arith.constant 0 : i32
      %cond3A_71 = arith.cmpi ne, %convert_element_type3A_69, %cond3A_70 : i32
      scf.if %cond3A_71 {
        %sub3A = arith.constant 2 : i32
        %sub3A_72 = arith.subi %scan3A_59, %sub3A : i32
        %rem3A = arith.constant 3 : i32
        %rem3A_73 = arith.remsi %sub3A_72, %rem3A : i32
        %dma_wait3A_74 = arith.constant 0 : i32
        %dma_wait3A_75 = arith.constant 0 : i32
        %dma_wait3A_76 = tpu.memref_slice %arg11[%rem3A_73, %dma_wait3A_74, %dma_wait3A_75] : memref<3x80x128xf32, #tpu.memory_space<vmem>> -> memref<1x80x128xf32, #tpu.memory_space<vmem>>
        %dma_wait3A_77 = tpu.memref_squeeze %dma_wait3A_76 : memref<1x80x128xf32, #tpu.memory_space<vmem>> -> memref<80x128xf32, #tpu.memory_space<vmem>>
        %dma_wait3A_78 = arith.constant 0 : i32
        %dma_wait3A_79 = tpu.memref_slice %arg9[%rem3A_73, %dma_wait3A_78] : memref<3x80xi32, #tpu.memory_space<vmem>> -> memref<1x80xi32, #tpu.memory_space<vmem>>
        %dma_wait3A_80 = tpu.memref_squeeze %dma_wait3A_79 : memref<1x80xi32, #tpu.memory_space<vmem>> -> memref<80xi32, #tpu.memory_space<vmem>>
        %dma_wait3A_81 = arith.constant 0 : i32
        %dma_wait3A_82 = arith.constant 0 : i32
        %dma_wait3A_83 = tpu.memref_slice %arg2[%dma_wait3A_81, %dma_wait3A_82] : memref<20000x128xf32, #tpu.memory_space<hbm>> -> memref<20000x128xf32, #tpu.memory_space<hbm>>
        %dma_wait3A_84 = tpu.memref_slice %arg13[%rem3A_73] : memref<3x!tpu.dma_semaphore, #tpu.memory_space<semaphore_mem>> -> memref<1x!tpu.dma_semaphore, #tpu.memory_space<semaphore_mem>>
        %dma_wait3A_85 = tpu.memref_squeeze %dma_wait3A_84 : memref<1x!tpu.dma_semaphore, #tpu.memory_space<semaphore_mem>> -> memref<!tpu.dma_semaphore, #tpu.memory_space<semaphore_mem>>
        tpu.wait_indirect_dma semaphore(%dma_wait3A_85 : memref<!tpu.dma_semaphore, #tpu.memory_space<semaphore_mem>>) src(%dma_wait3A_83 : memref<20000x128xf32, #tpu.memory_space<hbm>>) dst(%dma_wait3A_77 : memref<80x128xf32, #tpu.memory_space<vmem>>)
        %dma_start3A = arith.constant 0 : i32
        %dma_start3A_86 = arith.constant 0 : i32
        %dma_start3A_87 = tpu.memref_slice %arg11[%rem3A_73, %dma_start3A, %dma_start3A_86] : memref<3x80x128xf32, #tpu.memory_space<vmem>> -> memref<1x80x128xf32, #tpu.memory_space<vmem>>
        %dma_start3A_88 = tpu.memref_squeeze %dma_start3A_87 : memref<1x80x128xf32, #tpu.memory_space<vmem>> -> memref<80x128xf32, #tpu.memory_space<vmem>>
        %dma_start3A_89 = arith.constant 0 : i32
        %dma_start3A_90 = tpu.memref_slice %arg10[%rem3A_73, %dma_start3A_89] : memref<3x80xi32, #tpu.memory_space<vmem>> -> memref<1x80xi32, #tpu.memory_space<vmem>>
        %dma_start3A_91 = tpu.memref_squeeze %dma_start3A_90 : memref<1x80xi32, #tpu.memory_space<vmem>> -> memref<80xi32, #tpu.memory_space<vmem>>
        %dma_start3A_92 = arith.constant 0 : i32
        %dma_start3A_93 = arith.constant 0 : i32
        %dma_start3A_94 = tpu.memref_slice %arg8[%dma_start3A_92, %dma_start3A_93] : memref<10240x128xf32, #tpu.memory_space<vmem_shared>> -> memref<10240x128xf32, #tpu.memory_space<vmem_shared>>
        %dma_start3A_95 = tpu.memref_slice %arg14[%rem3A_73] : memref<3x!tpu.dma_semaphore, #tpu.memory_space<semaphore_mem>> -> memref<1x!tpu.dma_semaphore, #tpu.memory_space<semaphore_mem>>
        %dma_start3A_96 = tpu.memref_squeeze %dma_start3A_95 : memref<1x!tpu.dma_semaphore, #tpu.memory_space<semaphore_mem>> -> memref<!tpu.dma_semaphore, #tpu.memory_space<semaphore_mem>>
        tpu.enqueue_indirect_dma source(%dma_start3A_88 : memref<80x128xf32, #tpu.memory_space<vmem>>) target(%dma_start3A_94 : memref<10240x128xf32, #tpu.memory_space<vmem_shared>>) offsets(%dma_start3A_91 : memref<80xi32, #tpu.memory_space<vmem>>) semaphore(%dma_start3A_96 : memref<!tpu.dma_semaphore, #tpu.memory_space<semaphore_mem>>) {add = true}
      } else {
      }
    }
    %scan3A_7 = arith.constant 252 : i32
    %dma_wait3A = arith.constant 0 : i32
    %dma_wait3A_8 = arith.constant 0 : i32
    %dma_wait3A_9 = arith.constant 0 : i32
    %dma_wait3A_10 = arith.constant 0 : i32
    %dma_wait3A_11 = arith.constant 0 : i32
    %dma_wait3A_12 = tpu.memref_slice %arg11[%dma_wait3A, %dma_wait3A_10, %dma_wait3A_11] : memref<3x80x128xf32, #tpu.memory_space<vmem>> -> memref<1x80x128xf32, #tpu.memory_space<vmem>>
    %dma_wait3A_13 = tpu.memref_squeeze %dma_wait3A_12 : memref<1x80x128xf32, #tpu.memory_space<vmem>> -> memref<80x128xf32, #tpu.memory_space<vmem>>
    %dma_wait3A_14 = arith.constant 0 : i32
    %dma_wait3A_15 = tpu.memref_slice %arg10[%dma_wait3A_8, %dma_wait3A_14] : memref<3x80xi32, #tpu.memory_space<vmem>> -> memref<1x80xi32, #tpu.memory_space<vmem>>
    %dma_wait3A_16 = tpu.memref_squeeze %dma_wait3A_15 : memref<1x80xi32, #tpu.memory_space<vmem>> -> memref<80xi32, #tpu.memory_space<vmem>>
    %dma_wait3A_17 = arith.constant 0 : i32
    %dma_wait3A_18 = arith.constant 0 : i32
    %dma_wait3A_19 = tpu.memref_slice %arg8[%dma_wait3A_17, %dma_wait3A_18] : memref<10240x128xf32, #tpu.memory_space<vmem_shared>> -> memref<10240x128xf32, #tpu.memory_space<vmem_shared>>
    %dma_wait3A_20 = tpu.memref_slice %arg14[%dma_wait3A_9] : memref<3x!tpu.dma_semaphore, #tpu.memory_space<semaphore_mem>> -> memref<1x!tpu.dma_semaphore, #tpu.memory_space<semaphore_mem>>
    %dma_wait3A_21 = tpu.memref_squeeze %dma_wait3A_20 : memref<1x!tpu.dma_semaphore, #tpu.memory_space<semaphore_mem>> -> memref<!tpu.dma_semaphore, #tpu.memory_space<semaphore_mem>>
    tpu.wait_indirect_dma semaphore(%dma_wait3A_21 : memref<!tpu.dma_semaphore, #tpu.memory_space<semaphore_mem>>) src(%dma_wait3A_13 : memref<80x128xf32, #tpu.memory_space<vmem>>) dst(%dma_wait3A_19 : memref<10240x128xf32, #tpu.memory_space<vmem_shared>>)
    %dma_wait3A_22 = arith.constant 1 : i32
    %dma_wait3A_23 = arith.constant 1 : i32
    %dma_wait3A_24 = arith.constant 1 : i32
    %dma_wait3A_25 = arith.constant 0 : i32
    %dma_wait3A_26 = arith.constant 0 : i32
    %dma_wait3A_27 = tpu.memref_slice %arg11[%dma_wait3A_22, %dma_wait3A_25, %dma_wait3A_26] : memref<3x80x128xf32, #tpu.memory_space<vmem>> -> memref<1x80x128xf32, #tpu.memory_space<vmem>>
    %dma_wait3A_28 = tpu.memref_squeeze %dma_wait3A_27 : memref<1x80x128xf32, #tpu.memory_space<vmem>> -> memref<80x128xf32, #tpu.memory_space<vmem>>
    %dma_wait3A_29 = arith.constant 0 : i32
    %dma_wait3A_30 = tpu.memref_slice %arg10[%dma_wait3A_23, %dma_wait3A_29] : memref<3x80xi32, #tpu.memory_space<vmem>> -> memref<1x80xi32, #tpu.memory_space<vmem>>
    %dma_wait3A_31 = tpu.memref_squeeze %dma_wait3A_30 : memref<1x80xi32, #tpu.memory_space<vmem>> -> memref<80xi32, #tpu.memory_space<vmem>>
    %dma_wait3A_32 = arith.constant 0 : i32
    %dma_wait3A_33 = arith.constant 0 : i32
    %dma_wait3A_34 = tpu.memref_slice %arg8[%dma_wait3A_32, %dma_wait3A_33] : memref<10240x128xf32, #tpu.memory_space<vmem_shared>> -> memref<10240x128xf32, #tpu.memory_space<vmem_shared>>
    %dma_wait3A_35 = tpu.memref_slice %arg14[%dma_wait3A_24] : memref<3x!tpu.dma_semaphore, #tpu.memory_space<semaphore_mem>> -> memref<1x!tpu.dma_semaphore, #tpu.memory_space<semaphore_mem>>
    %dma_wait3A_36 = tpu.memref_squeeze %dma_wait3A_35 : memref<1x!tpu.dma_semaphore, #tpu.memory_space<semaphore_mem>> -> memref<!tpu.dma_semaphore, #tpu.memory_space<semaphore_mem>>
    tpu.wait_indirect_dma semaphore(%dma_wait3A_36 : memref<!tpu.dma_semaphore, #tpu.memory_space<semaphore_mem>>) src(%dma_wait3A_28 : memref<80x128xf32, #tpu.memory_space<vmem>>) dst(%dma_wait3A_34 : memref<10240x128xf32, #tpu.memory_space<vmem_shared>>)
    %dma_wait3A_37 = arith.constant 2 : i32
    %dma_wait3A_38 = arith.constant 2 : i32
    %dma_wait3A_39 = arith.constant 2 : i32
    %dma_wait3A_40 = arith.constant 0 : i32
    %dma_wait3A_41 = arith.constant 0 : i32
    %dma_wait3A_42 = tpu.memref_slice %arg11[%dma_wait3A_37, %dma_wait3A_40, %dma_wait3A_41] : memref<3x80x128xf32, #tpu.memory_space<vmem>> -> memref<1x80x128xf32, #tpu.memory_space<vmem>>
    %dma_wait3A_43 = tpu.memref_squeeze %dma_wait3A_42 : memref<1x80x128xf32, #tpu.memory_space<vmem>> -> memref<80x128xf32, #tpu.memory_space<vmem>>
    %dma_wait3A_44 = arith.constant 0 : i32
    %dma_wait3A_45 = tpu.memref_slice %arg10[%dma_wait3A_38, %dma_wait3A_44] : memref<3x80xi32, #tpu.memory_space<vmem>> -> memref<1x80xi32, #tpu.memory_space<vmem>>
    %dma_wait3A_46 = tpu.memref_squeeze %dma_wait3A_45 : memref<1x80xi32, #tpu.memory_space<vmem>> -> memref<80xi32, #tpu.memory_space<vmem>>
    %dma_wait3A_47 = arith.constant 0 : i32
    %dma_wait3A_48 = arith.constant 0 : i32
    %dma_wait3A_49 = tpu.memref_slice %arg8[%dma_wait3A_47, %dma_wait3A_48] : memref<10240x128xf32, #tpu.memory_space<vmem_shared>> -> memref<10240x128xf32, #tpu.memory_space<vmem_shared>>
    %dma_wait3A_50 = tpu.memref_slice %arg14[%dma_wait3A_39] : memref<3x!tpu.dma_semaphore, #tpu.memory_space<semaphore_mem>> -> memref<1x!tpu.dma_semaphore, #tpu.memory_space<semaphore_mem>>
    %dma_wait3A_51 = tpu.memref_squeeze %dma_wait3A_50 : memref<1x!tpu.dma_semaphore, #tpu.memory_space<semaphore_mem>> -> memref<!tpu.dma_semaphore, #tpu.memory_space<semaphore_mem>>
    tpu.wait_indirect_dma semaphore(%dma_wait3A_51 : memref<!tpu.dma_semaphore, #tpu.memory_space<semaphore_mem>>) src(%dma_wait3A_43 : memref<80x128xf32, #tpu.memory_space<vmem>>) dst(%dma_wait3A_49 : memref<10240x128xf32, #tpu.memory_space<vmem_shared>>)
    %barrier3A_52 = arith.constant 0 : index
    tpu.barrier barrier_id(%barrier3A_52)
    %mul3A_53 = arith.constant 640 : i32
    %mul3A_54 = arith.muli %arg1, %mul3A_53 : i32
    %mul3A_55 = arith.constant 10240 : i32
    %mul3A_56 = arith.muli %arg0, %mul3A_55 : i32
    %mul3A_57 = arith.constant 640 : i32
    %mul3A_58 = arith.muli %arg1, %mul3A_57 : i32
    %add3A = arith.addi %mul3A_56, %mul3A_58 : i32
    "tpu.region"() ({
      %run_scoped3A = tpu.sem_alloc : memref<!tpu.dma_semaphore, #tpu.memory_space<semaphore_mem>>
      %dma_start3A = arith.constant 0 : i32
      %dma_start3A_59 = tpu.memref_slice %arg7[%add3A, %dma_start3A] : memref<20480x128xf32, #tpu.memory_space<hbm>> -> memref<640x128xf32, #tpu.memory_space<hbm>>
      %dma_start3A_60 = arith.constant 0 : i32
      %dma_start3A_61 = tpu.memref_slice %arg8[%mul3A_54, %dma_start3A_60] : memref<10240x128xf32, #tpu.memory_space<vmem_shared>> -> memref<640x128xf32, #tpu.memory_space<vmem_shared>>
      tpu.enqueue_dma source(%dma_start3A_61 : memref<640x128xf32, #tpu.memory_space<vmem_shared>>) target(%dma_start3A_59 : memref<640x128xf32, #tpu.memory_space<hbm>>) target_semaphore(%run_scoped3A : memref<!tpu.dma_semaphore, #tpu.memory_space<semaphore_mem>>)
      %dma_wait3A_62 = arith.constant 0 : i32
      %dma_wait3A_63 = tpu.memref_slice %arg7[%add3A, %dma_wait3A_62] : memref<20480x128xf32, #tpu.memory_space<hbm>> -> memref<640x128xf32, #tpu.memory_space<hbm>>
      %dma_wait3A_64 = arith.constant 0 : i32
      %dma_wait3A_65 = tpu.memref_slice %arg8[%mul3A_54, %dma_wait3A_64] : memref<10240x128xf32, #tpu.memory_space<vmem_shared>> -> memref<640x128xf32, #tpu.memory_space<vmem_shared>>
      tpu.wait_dma2 semaphore(%run_scoped3A : memref<!tpu.dma_semaphore, #tpu.memory_space<semaphore_mem>>) src(%dma_wait3A_65 : memref<640x128xf32, #tpu.memory_space<vmem_shared>>) dst(%dma_wait3A_63 : memref<640x128xf32, #tpu.memory_space<hbm>>)
      tpu.yield
    }) : () -> ()
    return
  }
}

#map = affine_map<(d0, d1) -> (0)>
#map1 = affine_map<(d0, d1) -> (0, 0)>
module attributes {stable_mosaic.version = 14 : i64} {
  func.func @kdeg(%arg0: i32, %arg1: i32, %arg2: memref<320000xi32, #tpu.memory_space<hbm>>, %arg3: memref<640x16xf32, #tpu.memory_space<hbm>>, %arg4: memref<80x16xf32, #tpu.memory_space<hbm>>, %arg5: memref<20480x16xf32, #tpu.memory_space<hbm>>, %arg6: memref<10240x16xf32, #tpu.memory_space<vmem_shared>>, %arg7: memref<2x80xi32, #tpu.memory_space<vmem>>, %arg8: memref<80x16xf32, #tpu.memory_space<vmem>>, %arg9: memref<2x!tpu.dma_semaphore, #tpu.memory_space<semaphore_mem>>, %arg10: memref<2x!tpu.dma_semaphore, #tpu.memory_space<semaphore_mem>>) attributes {dimension_semantics = [#tpu.dimension_semantics<core_parallel>, #tpu.dimension_semantics<subcore_parallel>], iteration_bounds = array<i64: 2, 16>, scalar_prefetch = 0 : i64, scratch_operands = 5 : i64, tpu.core_type = #tpu.core_type<sc_vector_subcore>, window_params = [{transform_indices = #map}, {transform_indices = #map1}, {transform_indices = #map1}, {transform_indices = #map1}]} {
    %mul3A = arith.constant 2 : i32
    %mul3A_0 = arith.muli %arg1, %mul3A : i32
    %add3A = arith.addi %mul3A_0, %arg0 : i32
    %mul3A_1 = arith.constant 640 : i32
    %mul3A_2 = arith.muli %arg1, %mul3A_1 : i32
    "tpu.region"() ({
      %run_scoped3A = tpu.sem_alloc : memref<!tpu.dma_semaphore, #tpu.memory_space<semaphore_mem>>
      %dma_start3A = arith.constant 0 : i32
      %dma_start3A_35 = tpu.memref_slice %arg6[%mul3A_2, %dma_start3A] : memref<10240x16xf32, #tpu.memory_space<vmem_shared>> -> memref<640x16xf32, #tpu.memory_space<vmem_shared>>
      tpu.enqueue_dma source(%arg3 : memref<640x16xf32, #tpu.memory_space<hbm>>) target(%dma_start3A_35 : memref<640x16xf32, #tpu.memory_space<vmem_shared>>) target_semaphore(%run_scoped3A : memref<!tpu.dma_semaphore, #tpu.memory_space<semaphore_mem>>)
      %dma_wait3A_36 = arith.constant 0 : i32
      %dma_wait3A_37 = tpu.memref_slice %arg6[%mul3A_2, %dma_wait3A_36] : memref<10240x16xf32, #tpu.memory_space<vmem_shared>> -> memref<640x16xf32, #tpu.memory_space<vmem_shared>>
      tpu.wait_dma2 semaphore(%run_scoped3A : memref<!tpu.dma_semaphore, #tpu.memory_space<semaphore_mem>>) src(%arg3 : memref<640x16xf32, #tpu.memory_space<hbm>>) dst(%dma_wait3A_37 : memref<640x16xf32, #tpu.memory_space<vmem_shared>>)
      tpu.yield
    }) : () -> ()
    "tpu.region"() ({
      %run_scoped3A = tpu.sem_alloc : memref<!tpu.dma_semaphore, #tpu.memory_space<semaphore_mem>>
      tpu.enqueue_dma source(%arg4 : memref<80x16xf32, #tpu.memory_space<hbm>>) target(%arg8 : memref<80x16xf32, #tpu.memory_space<vmem>>) target_semaphore(%run_scoped3A : memref<!tpu.dma_semaphore, #tpu.memory_space<semaphore_mem>>)
      tpu.wait_dma2 semaphore(%run_scoped3A : memref<!tpu.dma_semaphore, #tpu.memory_space<semaphore_mem>>) src(%arg4 : memref<80x16xf32, #tpu.memory_space<hbm>>) dst(%arg8 : memref<80x16xf32, #tpu.memory_space<vmem>>)
      tpu.yield
    }) : () -> ()
    %barrier3A = arith.constant 0 : index
    tpu.barrier barrier_id(%barrier3A)
    %scan3A = arith.constant 0 : i32
    %scan3A_3 = arith.constant 0 : i32
    %scan3A_4 = arith.constant 126 : i32
    %scan3A_5 = arith.addi %scan3A_3, %scan3A_4 : i32
    %scan3A_6 = arith.constant 1 : i32
    scf.for %scan3A_35 = %scan3A_3 to %scan3A_5 step %scan3A_6  : i32 {
      %lt3A = arith.constant 125 : i32
      %lt3A_36 = arith.cmpi slt, %scan3A_35, %lt3A : i32
      %convert_element_type3A = arith.extui %lt3A_36 : i1 to i32
      %cond3A = arith.constant 0 : i32
      %cond3A_37 = arith.cmpi ne, %convert_element_type3A, %cond3A : i32
      scf.if %cond3A_37 {
        %rem3A = arith.constant 2 : i32
        %rem3A_42 = arith.remsi %scan3A_35, %rem3A : i32
        %ge3A_43 = arith.constant 2 : i32
        %ge3A_44 = arith.cmpi sge, %scan3A_35, %ge3A_43 : i32
        %convert_element_type3A_45 = arith.extui %ge3A_44 : i1 to i32
        %cond3A_46 = arith.constant 0 : i32
        %cond3A_47 = arith.cmpi ne, %convert_element_type3A_45, %cond3A_46 : i32
        scf.if %cond3A_47 {
          %dma_wait3A_62 = arith.constant 0 : i32
          %dma_wait3A_63 = tpu.memref_slice %arg7[%rem3A_42, %dma_wait3A_62] : memref<2x80xi32, #tpu.memory_space<vmem>> -> memref<1x80xi32, #tpu.memory_space<vmem>>
          %dma_wait3A_64 = tpu.memref_squeeze %dma_wait3A_63 : memref<1x80xi32, #tpu.memory_space<vmem>> -> memref<80xi32, #tpu.memory_space<vmem>>
          %dma_wait3A_65 = arith.constant 0 : i32
          %dma_wait3A_66 = arith.constant 0 : i32
          %dma_wait3A_67 = tpu.memref_slice %arg6[%dma_wait3A_65, %dma_wait3A_66] : memref<10240x16xf32, #tpu.memory_space<vmem_shared>> -> memref<10240x16xf32, #tpu.memory_space<vmem_shared>>
          %dma_wait3A_68 = tpu.memref_slice %arg10[%rem3A_42] : memref<2x!tpu.dma_semaphore, #tpu.memory_space<semaphore_mem>> -> memref<1x!tpu.dma_semaphore, #tpu.memory_space<semaphore_mem>>
          %dma_wait3A_69 = tpu.memref_squeeze %dma_wait3A_68 : memref<1x!tpu.dma_semaphore, #tpu.memory_space<semaphore_mem>> -> memref<!tpu.dma_semaphore, #tpu.memory_space<semaphore_mem>>
          tpu.wait_indirect_dma semaphore(%dma_wait3A_69 : memref<!tpu.dma_semaphore, #tpu.memory_space<semaphore_mem>>) src(%arg8 : memref<80x16xf32, #tpu.memory_space<vmem>>) dst(%dma_wait3A_67 : memref<10240x16xf32, #tpu.memory_space<vmem_shared>>)
        } else {
        }
        %mul3A_48 = arith.constant 10000 : i32
        %mul3A_49 = arith.muli %add3A, %mul3A_48 : i32
        %mul3A_50 = arith.constant 80 : i32
        %mul3A_51 = arith.muli %scan3A_35, %mul3A_50 : i32
        %add3A_52 = arith.addi %mul3A_49, %mul3A_51 : i32
        %dma_start3A = arith.constant 0 : i32
        %dma_start3A_53 = tpu.memref_slice %arg7[%rem3A_42, %dma_start3A] : memref<2x80xi32, #tpu.memory_space<vmem>> -> memref<1x80xi32, #tpu.memory_space<vmem>>
        %dma_start3A_54 = tpu.memref_squeeze %dma_start3A_53 : memref<1x80xi32, #tpu.memory_space<vmem>> -> memref<80xi32, #tpu.memory_space<vmem>>
        %dma_start3A_55 = tpu.memref_slice %arg2[%add3A_52] : memref<320000xi32, #tpu.memory_space<hbm>> -> memref<80xi32, #tpu.memory_space<hbm>>
        %dma_start3A_56 = tpu.memref_slice %arg9[%rem3A_42] : memref<2x!tpu.dma_semaphore, #tpu.memory_space<semaphore_mem>> -> memref<1x!tpu.dma_semaphore, #tpu.memory_space<semaphore_mem>>
        %dma_start3A_57 = tpu.memref_squeeze %dma_start3A_56 : memref<1x!tpu.dma_semaphore, #tpu.memory_space<semaphore_mem>> -> memref<!tpu.dma_semaphore, #tpu.memory_space<semaphore_mem>>
        %dma_start3A_58 = arith.constant 0 : i32
        %dma_start3A_59 = tpu.memref_slice %arg7[%rem3A_42, %dma_start3A_58] : memref<2x80xi32, #tpu.memory_space<vmem>> -> memref<1x80xi32, #tpu.memory_space<vmem>>
        %dma_start3A_60 = tpu.memref_squeeze %dma_start3A_59 : memref<1x80xi32, #tpu.memory_space<vmem>> -> memref<80xi32, #tpu.memory_space<vmem>>
        %dma_start3A_61 = tpu.memref_slice %arg2[%add3A_52] : memref<320000xi32, #tpu.memory_space<hbm>> -> memref<80xi32, #tpu.memory_space<hbm>>
        tpu.enqueue_dma source(%dma_start3A_61 : memref<80xi32, #tpu.memory_space<hbm>>) target(%dma_start3A_60 : memref<80xi32, #tpu.memory_space<vmem>>) target_semaphore(%dma_start3A_57 : memref<!tpu.dma_semaphore, #tpu.memory_space<semaphore_mem>>)
      } else {
      }
      %ge3A = arith.constant 1 : i32
      %ge3A_38 = arith.cmpi sge, %scan3A_35, %ge3A : i32
      %convert_element_type3A_39 = arith.extui %ge3A_38 : i1 to i32
      %cond3A_40 = arith.constant 0 : i32
      %cond3A_41 = arith.cmpi ne, %convert_element_type3A_39, %cond3A_40 : i32
      scf.if %cond3A_41 {
        %sub3A = arith.constant 1 : i32
        %sub3A_42 = arith.subi %scan3A_35, %sub3A : i32
        %rem3A = arith.constant 2 : i32
        %rem3A_43 = arith.remsi %sub3A_42, %rem3A : i32
        %dma_wait3A_44 = arith.constant 0 : i32
        %dma_wait3A_45 = tpu.memref_slice %arg7[%rem3A_43, %dma_wait3A_44] : memref<2x80xi32, #tpu.memory_space<vmem>> -> memref<1x80xi32, #tpu.memory_space<vmem>>
        %dma_wait3A_46 = tpu.memref_squeeze %dma_wait3A_45 : memref<1x80xi32, #tpu.memory_space<vmem>> -> memref<80xi32, #tpu.memory_space<vmem>>
        %dma_wait3A_47 = arith.constant 0 : i32
        %dma_wait3A_48 = tpu.memref_slice %arg2[%dma_wait3A_47] : memref<320000xi32, #tpu.memory_space<hbm>> -> memref<80xi32, #tpu.memory_space<hbm>>
        %dma_wait3A_49 = tpu.memref_slice %arg9[%rem3A_43] : memref<2x!tpu.dma_semaphore, #tpu.memory_space<semaphore_mem>> -> memref<1x!tpu.dma_semaphore, #tpu.memory_space<semaphore_mem>>
        %dma_wait3A_50 = tpu.memref_squeeze %dma_wait3A_49 : memref<1x!tpu.dma_semaphore, #tpu.memory_space<semaphore_mem>> -> memref<!tpu.dma_semaphore, #tpu.memory_space<semaphore_mem>>
        %dma_wait3A_51 = arith.constant 0 : i32
        %dma_wait3A_52 = tpu.memref_slice %arg7[%rem3A_43, %dma_wait3A_51] : memref<2x80xi32, #tpu.memory_space<vmem>> -> memref<1x80xi32, #tpu.memory_space<vmem>>
        %dma_wait3A_53 = tpu.memref_squeeze %dma_wait3A_52 : memref<1x80xi32, #tpu.memory_space<vmem>> -> memref<80xi32, #tpu.memory_space<vmem>>
        %dma_wait3A_54 = arith.constant 0 : i32
        %dma_wait3A_55 = tpu.memref_slice %arg2[%dma_wait3A_54] : memref<320000xi32, #tpu.memory_space<hbm>> -> memref<80xi32, #tpu.memory_space<hbm>>
        tpu.wait_dma2 semaphore(%dma_wait3A_50 : memref<!tpu.dma_semaphore, #tpu.memory_space<semaphore_mem>>) src(%dma_wait3A_55 : memref<80xi32, #tpu.memory_space<hbm>>) dst(%dma_wait3A_53 : memref<80xi32, #tpu.memory_space<vmem>>)
        %dma_start3A = arith.constant 0 : i32
        %dma_start3A_56 = tpu.memref_slice %arg7[%rem3A_43, %dma_start3A] : memref<2x80xi32, #tpu.memory_space<vmem>> -> memref<1x80xi32, #tpu.memory_space<vmem>>
        %dma_start3A_57 = tpu.memref_squeeze %dma_start3A_56 : memref<1x80xi32, #tpu.memory_space<vmem>> -> memref<80xi32, #tpu.memory_space<vmem>>
        %dma_start3A_58 = arith.constant 0 : i32
        %dma_start3A_59 = arith.constant 0 : i32
        %dma_start3A_60 = tpu.memref_slice %arg6[%dma_start3A_58, %dma_start3A_59] : memref<10240x16xf32, #tpu.memory_space<vmem_shared>> -> memref<10240x16xf32, #tpu.memory_space<vmem_shared>>
        %dma_start3A_61 = tpu.memref_slice %arg10[%rem3A_43] : memref<2x!tpu.dma_semaphore, #tpu.memory_space<semaphore_mem>> -> memref<1x!tpu.dma_semaphore, #tpu.memory_space<semaphore_mem>>
        %dma_start3A_62 = tpu.memref_squeeze %dma_start3A_61 : memref<1x!tpu.dma_semaphore, #tpu.memory_space<semaphore_mem>> -> memref<!tpu.dma_semaphore, #tpu.memory_space<semaphore_mem>>
        tpu.enqueue_indirect_dma source(%arg8 : memref<80x16xf32, #tpu.memory_space<vmem>>) target(%dma_start3A_60 : memref<10240x16xf32, #tpu.memory_space<vmem_shared>>) offsets(%dma_start3A_57 : memref<80xi32, #tpu.memory_space<vmem>>) semaphore(%dma_start3A_62 : memref<!tpu.dma_semaphore, #tpu.memory_space<semaphore_mem>>) {add = true}
      } else {
      }
    }
    %scan3A_7 = arith.constant 126 : i32
    %dma_wait3A = arith.constant 0 : i32
    %dma_wait3A_8 = arith.constant 0 : i32
    %dma_wait3A_9 = arith.constant 0 : i32
    %dma_wait3A_10 = tpu.memref_slice %arg7[%dma_wait3A, %dma_wait3A_9] : memref<2x80xi32, #tpu.memory_space<vmem>> -> memref<1x80xi32, #tpu.memory_space<vmem>>
    %dma_wait3A_11 = tpu.memref_squeeze %dma_wait3A_10 : memref<1x80xi32, #tpu.memory_space<vmem>> -> memref<80xi32, #tpu.memory_space<vmem>>
    %dma_wait3A_12 = arith.constant 0 : i32
    %dma_wait3A_13 = arith.constant 0 : i32
    %dma_wait3A_14 = tpu.memref_slice %arg6[%dma_wait3A_12, %dma_wait3A_13] : memref<10240x16xf32, #tpu.memory_space<vmem_shared>> -> memref<10240x16xf32, #tpu.memory_space<vmem_shared>>
    %dma_wait3A_15 = tpu.memref_slice %arg10[%dma_wait3A_8] : memref<2x!tpu.dma_semaphore, #tpu.memory_space<semaphore_mem>> -> memref<1x!tpu.dma_semaphore, #tpu.memory_space<semaphore_mem>>
    %dma_wait3A_16 = tpu.memref_squeeze %dma_wait3A_15 : memref<1x!tpu.dma_semaphore, #tpu.memory_space<semaphore_mem>> -> memref<!tpu.dma_semaphore, #tpu.memory_space<semaphore_mem>>
    tpu.wait_indirect_dma semaphore(%dma_wait3A_16 : memref<!tpu.dma_semaphore, #tpu.memory_space<semaphore_mem>>) src(%arg8 : memref<80x16xf32, #tpu.memory_space<vmem>>) dst(%dma_wait3A_14 : memref<10240x16xf32, #tpu.memory_space<vmem_shared>>)
    %dma_wait3A_17 = arith.constant 1 : i32
    %dma_wait3A_18 = arith.constant 1 : i32
    %dma_wait3A_19 = arith.constant 0 : i32
    %dma_wait3A_20 = tpu.memref_slice %arg7[%dma_wait3A_17, %dma_wait3A_19] : memref<2x80xi32, #tpu.memory_space<vmem>> -> memref<1x80xi32, #tpu.memory_space<vmem>>
    %dma_wait3A_21 = tpu.memref_squeeze %dma_wait3A_20 : memref<1x80xi32, #tpu.memory_space<vmem>> -> memref<80xi32, #tpu.memory_space<vmem>>
    %dma_wait3A_22 = arith.constant 0 : i32
    %dma_wait3A_23 = arith.constant 0 : i32
    %dma_wait3A_24 = tpu.memref_slice %arg6[%dma_wait3A_22, %dma_wait3A_23] : memref<10240x16xf32, #tpu.memory_space<vmem_shared>> -> memref<10240x16xf32, #tpu.memory_space<vmem_shared>>
    %dma_wait3A_25 = tpu.memref_slice %arg10[%dma_wait3A_18] : memref<2x!tpu.dma_semaphore, #tpu.memory_space<semaphore_mem>> -> memref<1x!tpu.dma_semaphore, #tpu.memory_space<semaphore_mem>>
    %dma_wait3A_26 = tpu.memref_squeeze %dma_wait3A_25 : memref<1x!tpu.dma_semaphore, #tpu.memory_space<semaphore_mem>> -> memref<!tpu.dma_semaphore, #tpu.memory_space<semaphore_mem>>
    tpu.wait_indirect_dma semaphore(%dma_wait3A_26 : memref<!tpu.dma_semaphore, #tpu.memory_space<semaphore_mem>>) src(%arg8 : memref<80x16xf32, #tpu.memory_space<vmem>>) dst(%dma_wait3A_24 : memref<10240x16xf32, #tpu.memory_space<vmem_shared>>)
    %barrier3A_27 = arith.constant 0 : index
    tpu.barrier barrier_id(%barrier3A_27)
    %mul3A_28 = arith.constant 640 : i32
    %mul3A_29 = arith.muli %arg1, %mul3A_28 : i32
    %mul3A_30 = arith.constant 10240 : i32
    %mul3A_31 = arith.muli %arg0, %mul3A_30 : i32
    %mul3A_32 = arith.constant 640 : i32
    %mul3A_33 = arith.muli %arg1, %mul3A_32 : i32
    %add3A_34 = arith.addi %mul3A_31, %mul3A_33 : i32
    "tpu.region"() ({
      %run_scoped3A = tpu.sem_alloc : memref<!tpu.dma_semaphore, #tpu.memory_space<semaphore_mem>>
      %dma_start3A = arith.constant 0 : i32
      %dma_start3A_35 = tpu.memref_slice %arg5[%add3A_34, %dma_start3A] : memref<20480x16xf32, #tpu.memory_space<hbm>> -> memref<640x16xf32, #tpu.memory_space<hbm>>
      %dma_start3A_36 = arith.constant 0 : i32
      %dma_start3A_37 = tpu.memref_slice %arg6[%mul3A_29, %dma_start3A_36] : memref<10240x16xf32, #tpu.memory_space<vmem_shared>> -> memref<640x16xf32, #tpu.memory_space<vmem_shared>>
      tpu.enqueue_dma source(%dma_start3A_37 : memref<640x16xf32, #tpu.memory_space<vmem_shared>>) target(%dma_start3A_35 : memref<640x16xf32, #tpu.memory_space<hbm>>) target_semaphore(%run_scoped3A : memref<!tpu.dma_semaphore, #tpu.memory_space<semaphore_mem>>)
      %dma_wait3A_38 = arith.constant 0 : i32
      %dma_wait3A_39 = tpu.memref_slice %arg5[%add3A_34, %dma_wait3A_38] : memref<20480x16xf32, #tpu.memory_space<hbm>> -> memref<640x16xf32, #tpu.memory_space<hbm>>
      %dma_wait3A_40 = arith.constant 0 : i32
      %dma_wait3A_41 = tpu.memref_slice %arg6[%mul3A_29, %dma_wait3A_40] : memref<10240x16xf32, #tpu.memory_space<vmem_shared>> -> memref<640x16xf32, #tpu.memory_space<vmem_shared>>
      tpu.wait_dma2 semaphore(%run_scoped3A : memref<!tpu.dma_semaphore, #tpu.memory_space<semaphore_mem>>) src(%dma_wait3A_41 : memref<640x16xf32, #tpu.memory_space<vmem_shared>>) dst(%dma_wait3A_39 : memref<640x16xf32, #tpu.memory_space<hbm>>)
      tpu.yield
    }) : () -> ()
    return
  }
}

module attributes {stable_mosaic.version = 14 : i64} {
  func.func @_scale_body(%arg0: i32, %arg1: memref<2x1000x16xf32, #tpu.memory_space<vmem>>, %arg2: memref<1000x128xf32, #tpu.memory_space<vmem>>, %arg3: memref<1000x128xf32, #tpu.memory_space<vmem>>, %arg4: memref<1000x1xf32, #tpu.memory_space<vmem>>) attributes {dimension_semantics = [#tpu.dimension_semantics<arbitrary>], iteration_bounds = array<i64: 10>, scalar_prefetch = 0 : i64, scratch_operands = 0 : i64, tpu.core_type = #tpu.core_type<tc>, window_params = [{transform_indices = @transform_0, window_bounds = array<i64: 2, 1000, 16>}, {transform_indices = @transform_1, window_bounds = array<i64: 1000, 128>}, {transform_indices = @transform_2, window_bounds = array<i64: 1000, 128>}, {transform_indices = @transform_3, window_bounds = array<i64: 1000, 1>}]} {
    %get3A = arith.constant 0 : index
    %get3A_0 = arith.constant 0 : index
    %get3A_1 = arith.constant 0 : index
    %get3A_2 = vector.load %arg1[%get3A, %get3A_0, %get3A_1] : memref<2x1000x16xf32, #tpu.memory_space<vmem>>, vector<1x1000x1xf32>
    %get3A_3 = vector.shape_cast %get3A_2 : vector<1x1000x1xf32> to vector<1000xf32>
    %add3A = arith.constant 1.000000e+00 : f32
    %add3A_4 = vector.broadcast %add3A : f32 to vector<1000xf32>
    %add3A_5 = arith.addf %add3A_4, %get3A_3 : vector<1000xf32>
    %get3A_6 = arith.constant 1 : index
    %get3A_7 = arith.constant 0 : index
    %get3A_8 = arith.constant 0 : index
    %get3A_9 = vector.load %arg1[%get3A_6, %get3A_7, %get3A_8] : memref<2x1000x16xf32, #tpu.memory_space<vmem>>, vector<1x1000x1xf32>
    %get3A_10 = vector.shape_cast %get3A_9 : vector<1x1000x1xf32> to vector<1000xf32>
    %add3A_11 = arith.addf %add3A_5, %get3A_10 : vector<1000xf32>
    %rsqrt3A = math.rsqrt %add3A_11 : vector<1000xf32>
    %broadcast_in_dim3A = vector.shape_cast %rsqrt3A : vector<1000xf32> to vector<1000x1xf32>
    %get3A_12 = arith.constant 0 : index
    %get3A_13 = arith.constant 0 : index
    %get3A_14 = vector.load %arg2[%get3A_12, %get3A_13] : memref<1000x128xf32, #tpu.memory_space<vmem>>, vector<1000x128xf32>
    %mul3A = vector.broadcast %broadcast_in_dim3A : vector<1000x1xf32> to vector<1000x128xf32>
    %mul3A_15 = arith.mulf %mul3A, %get3A_14 : vector<1000x128xf32>
    %swap3A = arith.constant 0 : index
    %swap3A_16 = arith.constant 0 : index
    %swap3A_17 = vector.load %arg3[%swap3A, %swap3A_16] : memref<1000x128xf32, #tpu.memory_space<vmem>>, vector<1000x128xf32>
    tpu.vector_store %arg3[%swap3A, %swap3A_16], %mul3A_15 {strides = array<i32>} : memref<1000x128xf32, #tpu.memory_space<vmem>>, vector<1000x128xf32>,
    %broadcast_in_dim3A_18 = vector.shape_cast %rsqrt3A : vector<1000xf32> to vector<1000x1xf32>
    %swap3A_19 = arith.constant 0 : index
    %swap3A_20 = arith.constant 0 : index
    %swap3A_21 = vector.load %arg4[%swap3A_19, %swap3A_20] : memref<1000x1xf32, #tpu.memory_space<vmem>>, vector<1000x1xf32>
    tpu.vector_store %arg4[%swap3A_19, %swap3A_20], %broadcast_in_dim3A_18 {strides = array<i32>} : memref<1000x1xf32, #tpu.memory_space<vmem>>, vector<1000x1xf32>,
    return
  }
  func.func @transform_0(%arg0: i32) -> (i32, i32, i32) {
    %c0_i32 = arith.constant 0 : i32
    %c0_i32_0 = arith.constant 0 : i32
    %c0_i32_1 = arith.constant 0 : i32
    return %c0_i32, %arg0, %c0_i32_0 : i32, i32, i32
  }
  func.func @transform_1(%arg0: i32) -> (i32, i32) {
    %c0_i32 = arith.constant 0 : i32
    %c0_i32_0 = arith.constant 0 : i32
    return %arg0, %c0_i32 : i32, i32
  }
  func.func @transform_2(%arg0: i32) -> (i32, i32) {
    %c0_i32 = arith.constant 0 : i32
    %c0_i32_0 = arith.constant 0 : i32
    return %arg0, %c0_i32 : i32, i32
  }
  func.func @transform_3(%arg0: i32) -> (i32, i32) {
    %c0_i32 = arith.constant 0 : i32
    %c0_i32_0 = arith.constant 0 : i32
    return %arg0, %c0_i32 : i32, i32
  }
}

module attributes {stable_mosaic.version = 14 : i64} {
  func.func @_layer1_body(%arg0: i32, %arg1: memref<2x1000x128xf32, #tpu.memory_space<vmem>>, %arg2: memref<1000x128xf32, #tpu.memory_space<vmem>>, %arg3: memref<1000x1xf32, #tpu.memory_space<vmem>>, %arg4: memref<128x256xf32, #tpu.memory_space<vmem>>, %arg5: memref<1x256xf32, #tpu.memory_space<vmem>>, %arg6: memref<2x1000x128xf32, #tpu.memory_space<vmem>>) attributes {dimension_semantics = [#tpu.dimension_semantics<arbitrary>], iteration_bounds = array<i64: 10>, scalar_prefetch = 0 : i64, scratch_operands = 0 : i64, tpu.core_type = #tpu.core_type<tc>, window_params = [{transform_indices = @transform_0, window_bounds = array<i64: 2, 1000, 128>}, {transform_indices = @transform_1, window_bounds = array<i64: 1000, 128>}, {transform_indices = @transform_2, window_bounds = array<i64: 1000, 1>}, {pipeline_mode = #tpu.pipeline_mode<synchronous>, transform_indices = @transform_3, window_bounds = array<i64: 128, 256>}, {pipeline_mode = #tpu.pipeline_mode<synchronous>, transform_indices = @transform_4, window_bounds = array<i64: 1, 256>}, {transform_indices = @transform_5, window_bounds = array<i64: 2, 1000, 128>}]} {
    %get3A = arith.constant 0 : index
    %get3A_0 = arith.constant 0 : index
    %get3A_1 = vector.load %arg3[%get3A, %get3A_0] : memref<1000x1xf32, #tpu.memory_space<vmem>>, vector<1000x1xf32>
    %get3A_2 = arith.constant 0 : index
    %get3A_3 = arith.constant 0 : index
    %get3A_4 = arith.constant 0 : index
    %get3A_5 = vector.load %arg1[%get3A_2, %get3A_3, %get3A_4] : memref<2x1000x128xf32, #tpu.memory_space<vmem>>, vector<1x1000x128xf32>
    %get3A_6 = vector.shape_cast %get3A_5 : vector<1x1000x128xf32> to vector<1000x128xf32>
    %get3A_7 = arith.constant 1 : index
    %get3A_8 = arith.constant 0 : index
    %get3A_9 = arith.constant 0 : index
    %get3A_10 = vector.load %arg1[%get3A_7, %get3A_8, %get3A_9] : memref<2x1000x128xf32, #tpu.memory_space<vmem>>, vector<1x1000x128xf32>
    %get3A_11 = vector.shape_cast %get3A_10 : vector<1x1000x128xf32> to vector<1000x128xf32>
    %add3A = arith.addf %get3A_6, %get3A_11 : vector<1000x128xf32>
    %get3A_12 = arith.constant 0 : index
    %get3A_13 = arith.constant 0 : index
    %get3A_14 = vector.load %arg2[%get3A_12, %get3A_13] : memref<1000x128xf32, #tpu.memory_space<vmem>>, vector<1000x128xf32>
    %add3A_15 = arith.addf %add3A, %get3A_14 : vector<1000x128xf32>
    %mul3A = vector.broadcast %get3A_1 : vector<1000x1xf32> to vector<1000x128xf32>
    %mul3A_16 = arith.mulf %add3A_15, %mul3A : vector<1000x128xf32>
    %get3A_17 = arith.constant 0 : index
    %get3A_18 = arith.constant 0 : index
    %get3A_19 = vector.load %arg4[%get3A_17, %get3A_18] : memref<128x256xf32, #tpu.memory_space<vmem>>, vector<128x256xf32>
    %dot_general3A = arith.constant dense<0.000000e+00> : vector<1000x256xf32>
    %dot_general3A_20 = tpu.matmul %mul3A_16, %get3A_19, %dot_general3A {dimension_numbers = #tpu.dot_dimension_numbers<[1], [0], [0], [1], [0, 0, 1, 1], [], []>, transpose_lhs_hint = false} : vector<1000x128xf32>, vector<128x256xf32>, vector<1000x256xf32> -> vector<1000x256xf32>
    %get3A_21 = arith.constant 0 : index
    %get3A_22 = arith.constant 0 : index
    %get3A_23 = vector.load %arg5[%get3A_21, %get3A_22] : memref<1x256xf32, #tpu.memory_space<vmem>>, vector<1x256xf32>
    %get3A_24 = vector.shape_cast %get3A_23 : vector<1x256xf32> to vector<256xf32>
    %broadcast_in_dim3A = vector.shape_cast %get3A_24 : vector<256xf32> to vector<1x256xf32>
    %add3A_25 = vector.broadcast %broadcast_in_dim3A : vector<1x256xf32> to vector<1000x256xf32>
    %add3A_26 = arith.addf %dot_general3A_20, %add3A_25 : vector<1000x256xf32>
    %max3A = arith.constant 0.000000e+00 : f32
    %max3A_27 = vector.broadcast %max3A : f32 to vector<1000x256xf32>
    %max3A_28 = arith.maximumf %add3A_26, %max3A_27 : vector<1000x256xf32>
    %mul3A_29 = vector.broadcast %get3A_1 : vector<1000x1xf32> to vector<1000x256xf32>
    %mul3A_30 = arith.mulf %max3A_28, %mul3A_29 : vector<1000x256xf32>
    %slice3A = vector.extract_strided_slice %mul3A_30 {offsets = [0, 0], sizes = [1000, 128], strides = [1, 1]} : vector<1000x256xf32> to vector<1000x128xf32>
    %swap3A = arith.constant 0 : index
    %swap3A_31 = arith.constant 0 : index
    %swap3A_32 = arith.constant 0 : index
    %swap3A_33 = vector.load %arg6[%swap3A, %swap3A_31, %swap3A_32] : memref<2x1000x128xf32, #tpu.memory_space<vmem>>, vector<1x1000x128xf32>
    %swap3A_34 = vector.shape_cast %swap3A_33 : vector<1x1000x128xf32> to vector<1000x128xf32>
    %swap3A_35 = vector.shape_cast %slice3A : vector<1000x128xf32> to vector<1x1000x128xf32>
    tpu.vector_store %arg6[%swap3A, %swap3A_31, %swap3A_32], %swap3A_35 {strides = array<i32>} : memref<2x1000x128xf32, #tpu.memory_space<vmem>>, vector<1x1000x128xf32>,
    %slice3A_36 = vector.extract_strided_slice %mul3A_30 {offsets = [0, 128], sizes = [1000, 128], strides = [1, 1]} : vector<1000x256xf32> to vector<1000x128xf32>
    %swap3A_37 = arith.constant 1 : index
    %swap3A_38 = arith.constant 0 : index
    %swap3A_39 = arith.constant 0 : index
    %swap3A_40 = vector.load %arg6[%swap3A_37, %swap3A_38, %swap3A_39] : memref<2x1000x128xf32, #tpu.memory_space<vmem>>, vector<1x1000x128xf32>
    %swap3A_41 = vector.shape_cast %swap3A_40 : vector<1x1000x128xf32> to vector<1000x128xf32>
    %swap3A_42 = vector.shape_cast %slice3A_36 : vector<1000x128xf32> to vector<1x1000x128xf32>
    tpu.vector_store %arg6[%swap3A_37, %swap3A_38, %swap3A_39], %swap3A_42 {strides = array<i32>} : memref<2x1000x128xf32, #tpu.memory_space<vmem>>, vector<1x1000x128xf32>,
    return
  }
  func.func @transform_0(%arg0: i32) -> (i32, i32, i32) {
    %c0_i32 = arith.constant 0 : i32
    %c0_i32_0 = arith.constant 0 : i32
    %c0_i32_1 = arith.constant 0 : i32
    return %c0_i32, %arg0, %c0_i32_0 : i32, i32, i32
  }
  func.func @transform_1(%arg0: i32) -> (i32, i32) {
    %c0_i32 = arith.constant 0 : i32
    %c0_i32_0 = arith.constant 0 : i32
    return %arg0, %c0_i32 : i32, i32
  }
  func.func @transform_2(%arg0: i32) -> (i32, i32) {
    %c0_i32 = arith.constant 0 : i32
    %c0_i32_0 = arith.constant 0 : i32
    return %arg0, %c0_i32 : i32, i32
  }
  func.func @transform_3(%arg0: i32) -> (i32, i32) {
    %c0_i32 = arith.constant 0 : i32
    %c0_i32_0 = arith.constant 0 : i32
    %c0_i32_1 = arith.constant 0 : i32
    return %c0_i32, %c0_i32_0 : i32, i32
  }
  func.func @transform_4(%arg0: i32) -> (i32, i32) {
    %c0_i32 = arith.constant 0 : i32
    %c0_i32_0 = arith.constant 0 : i32
    %c0_i32_1 = arith.constant 0 : i32
    return %c0_i32, %c0_i32_0 : i32, i32
  }
  func.func @transform_5(%arg0: i32) -> (i32, i32, i32) {
    %c0_i32 = arith.constant 0 : i32
    %c0_i32_0 = arith.constant 0 : i32
    %c0_i32_1 = arith.constant 0 : i32
    return %c0_i32, %arg0, %c0_i32_0 : i32, i32, i32
  }
}

module attributes {stable_mosaic.version = 14 : i64} {
  func.func @_layer2_body(%arg0: i32, %arg1: memref<2x1000x128xf32, #tpu.memory_space<vmem>>, %arg2: memref<2x1000x128xf32, #tpu.memory_space<vmem>>, %arg3: memref<1000x1xf32, #tpu.memory_space<vmem>>, %arg4: memref<256x256xf32, #tpu.memory_space<vmem>>, %arg5: memref<1x256xf32, #tpu.memory_space<vmem>>, %arg6: memref<256x1xf32, #tpu.memory_space<vmem>>, %arg7: memref<1xf32, #tpu.memory_space<vmem>>, %arg8: memref<1000x1xi32, #tpu.memory_space<vmem>>, %arg9: memref<16xf32, #tpu.memory_space<vmem>>, %arg10: memref<1x16xf32, #tpu.memory_space<vmem>>, %arg11: memref<1x16xf32, #tpu.memory_space<vmem>>) attributes {dimension_semantics = [#tpu.dimension_semantics<arbitrary>], iteration_bounds = array<i64: 10>, scalar_prefetch = 0 : i64, scratch_operands = 2 : i64, tpu.core_type = #tpu.core_type<tc>, window_params = [{transform_indices = @transform_0, window_bounds = array<i64: 2, 1000, 128>}, {transform_indices = @transform_1, window_bounds = array<i64: 2, 1000, 128>}, {transform_indices = @transform_2, window_bounds = array<i64: 1000, 1>}, {pipeline_mode = #tpu.pipeline_mode<synchronous>, transform_indices = @transform_3, window_bounds = array<i64: 256, 256>}, {pipeline_mode = #tpu.pipeline_mode<synchronous>, transform_indices = @transform_4, window_bounds = array<i64: 1, 256>}, {pipeline_mode = #tpu.pipeline_mode<synchronous>, transform_indices = @transform_5, window_bounds = array<i64: 256, 1>}, {pipeline_mode = #tpu.pipeline_mode<synchronous>, transform_indices = @transform_6, window_bounds = array<i64: 1>}, {transform_indices = @transform_7, window_bounds = array<i64: 1000, 1>}, {pipeline_mode = #tpu.pipeline_mode<synchronous>, transform_indices = @transform_8, window_bounds = array<i64: 16>}]} {
    %get3A = arith.constant 0 : index
    %get3A_0 = arith.constant 0 : index
    %get3A_1 = vector.load %arg3[%get3A, %get3A_0] : memref<1000x1xf32, #tpu.memory_space<vmem>>, vector<1000x1xf32>
    %get3A_2 = arith.constant 0 : index
    %get3A_3 = arith.constant 0 : index
    %get3A_4 = arith.constant 0 : index
    %get3A_5 = vector.load %arg1[%get3A_2, %get3A_3, %get3A_4] : memref<2x1000x128xf32, #tpu.memory_space<vmem>>, vector<1x1000x128xf32>
    %get3A_6 = vector.shape_cast %get3A_5 : vector<1x1000x128xf32> to vector<1000x128xf32>
    %get3A_7 = arith.constant 0 : index
    %get3A_8 = arith.constant 0 : index
    %get3A_9 = arith.constant 0 : index
    %get3A_10 = vector.load %arg2[%get3A_7, %get3A_8, %get3A_9] : memref<2x1000x128xf32, #tpu.memory_space<vmem>>, vector<1x1000x128xf32>
    %get3A_11 = vector.shape_cast %get3A_10 : vector<1x1000x128xf32> to vector<1000x128xf32>
    %add3A = arith.addf %get3A_6, %get3A_11 : vector<1000x128xf32>
    %get3A_12 = arith.constant 1 : index
    %get3A_13 = arith.constant 0 : index
    %get3A_14 = arith.constant 0 : index
    %get3A_15 = vector.load %arg1[%get3A_12, %get3A_13, %get3A_14] : memref<2x1000x128xf32, #tpu.memory_space<vmem>>, vector<1x1000x128xf32>
    %get3A_16 = vector.shape_cast %get3A_15 : vector<1x1000x128xf32> to vector<1000x128xf32>
    %get3A_17 = arith.constant 1 : index
    %get3A_18 = arith.constant 0 : index
    %get3A_19 = arith.constant 0 : index
    %get3A_20 = vector.load %arg2[%get3A_17, %get3A_18, %get3A_19] : memref<2x1000x128xf32, #tpu.memory_space<vmem>>, vector<1x1000x128xf32>
    %get3A_21 = vector.shape_cast %get3A_20 : vector<1x1000x128xf32> to vector<1000x128xf32>
    %add3A_22 = arith.addf %get3A_16, %get3A_21 : vector<1000x128xf32>
    %concatenate3A = tpu.concatenate %add3A, %add3A_22 in 1 : vector<1000x128xf32>, vector<1000x128xf32> -> vector<1000x256xf32>
    %mul3A = vector.broadcast %get3A_1 : vector<1000x1xf32> to vector<1000x256xf32>
    %mul3A_23 = arith.mulf %concatenate3A, %mul3A : vector<1000x256xf32>
    %get3A_24 = arith.constant 0 : index
    %get3A_25 = arith.constant 0 : index
    %get3A_26 = vector.load %arg4[%get3A_24, %get3A_25] : memref<256x256xf32, #tpu.memory_space<vmem>>, vector<256x256xf32>
    %dot_general3A = arith.constant dense<0.000000e+00> : vector<1000x256xf32>
    %dot_general3A_27 = tpu.matmul %mul3A_23, %get3A_26, %dot_general3A {dimension_numbers = #tpu.dot_dimension_numbers<[1], [0], [0], [1], [0, 0, 1, 1], [], []>, transpose_lhs_hint = false} : vector<1000x256xf32>, vector<256x256xf32>, vector<1000x256xf32> -> vector<1000x256xf32>
    %get3A_28 = arith.constant 0 : index
    %get3A_29 = arith.constant 0 : index
    %get3A_30 = vector.load %arg5[%get3A_28, %get3A_29] : memref<1x256xf32, #tpu.memory_space<vmem>>, vector<1x256xf32>
    %get3A_31 = vector.shape_cast %get3A_30 : vector<1x256xf32> to vector<256xf32>
    %broadcast_in_dim3A = vector.shape_cast %get3A_31 : vector<256xf32> to vector<1x256xf32>
    %add3A_32 = vector.broadcast %broadcast_in_dim3A : vector<1x256xf32> to vector<1000x256xf32>
    %add3A_33 = arith.addf %dot_general3A_27, %add3A_32 : vector<1000x256xf32>
    %max3A = arith.constant 0.000000e+00 : f32
    %max3A_34 = vector.broadcast %max3A : f32 to vector<1000x256xf32>
    %max3A_35 = arith.maximumf %add3A_33, %max3A_34 : vector<1000x256xf32>
    %get3A_36 = arith.constant 0 : index
    %get3A_37 = arith.constant 0 : index
    %get3A_38 = vector.load %arg6[%get3A_36, %get3A_37] : memref<256x1xf32, #tpu.memory_space<vmem>>, vector<256x1xf32>
    %dot_general3A_39 = arith.constant dense<0.000000e+00> : vector<1000x1xf32>
    %dot_general3A_40 = tpu.matmul %max3A_35, %get3A_38, %dot_general3A_39 {dimension_numbers = #tpu.dot_dimension_numbers<[1], [0], [0], [1], [0, 0, 1, 1], [], []>, transpose_lhs_hint = false} : vector<1000x256xf32>, vector<256x1xf32>, vector<1000x1xf32> -> vector<1000x1xf32>
    %squeeze3A = vector.shape_cast %dot_general3A_40 : vector<1000x1xf32> to vector<1000xf32>
    %get3A_41 = arith.constant 0 : index
    %get3A_42 = arith.constant 0 : index
    %get3A_43 = vector.load %arg8[%get3A_41, %get3A_42] : memref<1000x1xi32, #tpu.memory_space<vmem>>, vector<1000x1xi32>
    %iota3A = tpu.iota {dimensions = array<i32: 1>} : vector<1x16xi32>
    %eq3A = vector.broadcast %get3A_43 : vector<1000x1xi32> to vector<1000x16xi32>
    %eq3A_44 = vector.broadcast %iota3A : vector<1x16xi32> to vector<1000x16xi32>
    %eq3A_45 = arith.cmpi eq, %eq3A, %eq3A_44 : vector<1000x16xi32>
    %convert_element_type3A = arith.extui %eq3A_45 : vector<1000x16xi1> to vector<1000x16xi32>
    %convert_element_type3A_46 = arith.sitofp %convert_element_type3A : vector<1000x16xi32> to vector<1000x16xf32>
    %dot_general3A_47 = arith.constant dense<0.000000e+00> : vector<16xf32>
    %dot_general3A_48 = tpu.matmul %squeeze3A, %convert_element_type3A_46, %dot_general3A_47 {dimension_numbers = #tpu.dot_dimension_numbers<[0], [0], [], [1], [1, 1], [], []>, transpose_lhs_hint = false} : vector<1000xf32>, vector<1000x16xf32>, vector<16xf32> -> vector<16xf32>
    %reduce_sum3A = arith.constant dense<0.000000e+00> : vector<16xf32>
    %reduce_sum3A_49 = vector.multi_reduction <add>, %convert_element_type3A_46, %reduce_sum3A [0] : vector<1000x16xf32> to vector<16xf32>
    %eq3A_50 = arith.constant 0 : i32
    %eq3A_51 = arith.cmpi eq, %arg0, %eq3A_50 : i32
    %convert_element_type3A_52 = arith.extui %eq3A_51 : i1 to i32
    %cond3A = arith.constant 0 : i32
    %cond3A_53 = arith.cmpi ne, %convert_element_type3A_52, %cond3A : i32
    scf.if %cond3A_53 {
      %broadcast_in_dim3A_78 = arith.constant 0.000000e+00 : f32
      %broadcast_in_dim3A_79 = vector.broadcast %broadcast_in_dim3A_78 : f32 to vector<1x16xf32>
      %swap3A_80 = arith.constant 0 : index
      %swap3A_81 = arith.constant 0 : index
      %swap3A_82 = vector.load %arg10[%swap3A_80, %swap3A_81] : memref<1x16xf32, #tpu.memory_space<vmem>>, vector<1x16xf32>
      tpu.vector_store %arg10[%swap3A_80, %swap3A_81], %broadcast_in_dim3A_79 {strides = array<i32>} : memref<1x16xf32, #tpu.memory_space<vmem>>, vector<1x16xf32>,
      %broadcast_in_dim3A_83 = arith.constant 0.000000e+00 : f32
      %broadcast_in_dim3A_84 = vector.broadcast %broadcast_in_dim3A_83 : f32 to vector<1x16xf32>
      %swap3A_85 = arith.constant 0 : index
      %swap3A_86 = arith.constant 0 : index
      %swap3A_87 = vector.load %arg11[%swap3A_85, %swap3A_86] : memref<1x16xf32, #tpu.memory_space<vmem>>, vector<1x16xf32>
      tpu.vector_store %arg11[%swap3A_85, %swap3A_86], %broadcast_in_dim3A_84 {strides = array<i32>} : memref<1x16xf32, #tpu.memory_space<vmem>>, vector<1x16xf32>,
    } else {
    }
    %get3A_54 = arith.constant 0 : index
    %get3A_55 = arith.constant 0 : index
    %get3A_56 = vector.load %arg10[%get3A_54, %get3A_55] : memref<1x16xf32, #tpu.memory_space<vmem>>, vector<1x16xf32>
    %get3A_57 = vector.shape_cast %get3A_56 : vector<1x16xf32> to vector<16xf32>
    %add3A_58 = arith.addf %get3A_57, %dot_general3A_48 : vector<16xf32>
    %swap3A = arith.constant 0 : index
    %swap3A_59 = arith.constant 0 : index
    %swap3A_60 = vector.load %arg10[%swap3A, %swap3A_59] : memref<1x16xf32, #tpu.memory_space<vmem>>, vector<1x16xf32>
    %swap3A_61 = vector.shape_cast %swap3A_60 : vector<1x16xf32> to vector<16xf32>
    %swap3A_62 = vector.shape_cast %add3A_58 : vector<16xf32> to vector<1x16xf32>
    tpu.vector_store %arg10[%swap3A, %swap3A_59], %swap3A_62 {strides = array<i32>} : memref<1x16xf32, #tpu.memory_space<vmem>>, vector<1x16xf32>,
    %get3A_63 = arith.constant 0 : index
    %get3A_64 = arith.constant 0 : index
    %get3A_65 = vector.load %arg11[%get3A_63, %get3A_64] : memref<1x16xf32, #tpu.memory_space<vmem>>, vector<1x16xf32>
    %get3A_66 = vector.shape_cast %get3A_65 : vector<1x16xf32> to vector<16xf32>
    %add3A_67 = arith.addf %get3A_66, %reduce_sum3A_49 : vector<16xf32>
    %swap3A_68 = arith.constant 0 : index
    %swap3A_69 = arith.constant 0 : index
    %swap3A_70 = vector.load %arg11[%swap3A_68, %swap3A_69] : memref<1x16xf32, #tpu.memory_space<vmem>>, vector<1x16xf32>
    %swap3A_71 = vector.shape_cast %swap3A_70 : vector<1x16xf32> to vector<16xf32>
    %swap3A_72 = vector.shape_cast %add3A_67 : vector<16xf32> to vector<1x16xf32>
    tpu.vector_store %arg11[%swap3A_68, %swap3A_69], %swap3A_72 {strides = array<i32>} : memref<1x16xf32, #tpu.memory_space<vmem>>, vector<1x16xf32>,
    %eq3A_73 = arith.constant 9 : i32
    %eq3A_74 = arith.cmpi eq, %arg0, %eq3A_73 : i32
    %convert_element_type3A_75 = arith.extui %eq3A_74 : i1 to i32
    %cond3A_76 = arith.constant 0 : i32
    %cond3A_77 = arith.cmpi ne, %convert_element_type3A_75, %cond3A_76 : i32
    scf.if %cond3A_77 {
      %get3A_78 = arith.constant 0 : index
      %get3A_79 = arith.constant 0 : index
      %get3A_80 = vector.load %arg10[%get3A_78, %get3A_79] : memref<1x16xf32, #tpu.memory_space<vmem>>, vector<1x16xf32>
      %get3A_81 = vector.shape_cast %get3A_80 : vector<1x16xf32> to vector<16xf32>
      %get3A_82 = arith.constant 0 : index
      %get3A_83 = arith.constant 0 : index
      %get3A_84 = vector.load %arg11[%get3A_82, %get3A_83] : memref<1x16xf32, #tpu.memory_space<vmem>>, vector<1x16xf32>
      %get3A_85 = vector.shape_cast %get3A_84 : vector<1x16xf32> to vector<16xf32>
      %max3A_86 = arith.constant 1.000000e+00 : f32
      %max3A_87 = vector.broadcast %max3A_86 : f32 to vector<16xf32>
      %max3A_88 = arith.maximumf %get3A_85, %max3A_87 : vector<16xf32>
      %div3A = arith.divf %get3A_81, %max3A_88 : vector<16xf32>
      %get3A_89 = arith.constant 0 : index
      %get3A_90 = vector.load %arg7[%get3A_89] : memref<1xf32, #tpu.memory_space<vmem>>, vector<1xf32>
      %get3A_91 = vector.extract %get3A_90[0] : f32 from vector<1xf32>
      %add3A_92 = vector.broadcast %get3A_91 : f32 to vector<16xf32>
      %add3A_93 = arith.addf %div3A, %add3A_92 : vector<16xf32>
      %swap3A_94 = arith.constant 0 : index
      %swap3A_95 = vector.load %arg9[%swap3A_94] : memref<16xf32, #tpu.memory_space<vmem>>, vector<16xf32>
      tpu.vector_store %arg9[%swap3A_94], %add3A_93 {strides = array<i32>} : memref<16xf32, #tpu.memory_space<vmem>>, vector<16xf32>,
    } else {
    }
    return
  }
  func.func @transform_0(%arg0: i32) -> (i32, i32, i32) {
    %c0_i32 = arith.constant 0 : i32
    %c0_i32_0 = arith.constant 0 : i32
    %c0_i32_1 = arith.constant 0 : i32
    return %c0_i32, %arg0, %c0_i32_0 : i32, i32, i32
  }
  func.func @transform_1(%arg0: i32) -> (i32, i32, i32) {
    %c0_i32 = arith.constant 0 : i32
    %c0_i32_0 = arith.constant 0 : i32
    %c0_i32_1 = arith.constant 0 : i32
    return %c0_i32, %arg0, %c0_i32_0 : i32, i32, i32
  }
  func.func @transform_2(%arg0: i32) -> (i32, i32) {
    %c0_i32 = arith.constant 0 : i32
    %c0_i32_0 = arith.constant 0 : i32
    return %arg0, %c0_i32 : i32, i32
  }
  func.func @transform_3(%arg0: i32) -> (i32, i32) {
    %c0_i32 = arith.constant 0 : i32
    %c0_i32_0 = arith.constant 0 : i32
    %c0_i32_1 = arith.constant 0 : i32
    return %c0_i32, %c0_i32_0 : i32, i32
  }
  func.func @transform_4(%arg0: i32) -> (i32, i32) {
    %c0_i32 = arith.constant 0 : i32
    %c0_i32_0 = arith.constant 0 : i32
    %c0_i32_1 = arith.constant 0 : i32
    return %c0_i32, %c0_i32_0 : i32, i32
  }
  func.func @transform_5(%arg0: i32) -> (i32, i32) {
    %c0_i32 = arith.constant 0 : i32
    %c0_i32_0 = arith.constant 0 : i32
    %c0_i32_1 = arith.constant 0 : i32
    return %c0_i32, %c0_i32_0 : i32, i32
  }
  func.func @transform_6(%arg0: i32) -> i32 {
    %c0_i32 = arith.constant 0 : i32
    %c0_i32_0 = arith.constant 0 : i32
    return %c0_i32 : i32
  }
  func.func @transform_7(%arg0: i32) -> (i32, i32) {
    %c0_i32 = arith.constant 0 : i32
    %c0_i32_0 = arith.constant 0 : i32
    return %arg0, %c0_i32 : i32, i32
  }
  func.func @transform_8(%arg0: i32) -> i32 {
    %c0_i32 = arith.constant 0 : i32
    %c0_i32_0 = arith.constant 0 : i32
    return %c0_i32 : i32
  }
}

</mosaic_0001>

<sc_bundles>
// kernel: kernel.11.cloned.1.call-start
scs
__scs_entry_jumppad:
0x0: {  	(pc) =	sbr.rel $0x88, $3  }
0x1: {  	(tag) =	ssettag $0x0;
	lr =	simm.s32 $0x1  }
0x2: {  	[smem:$0x3F98] =	sst lr;
	_ =	strace $0xD0000000  }
0x3: {  	_ = 	snop  }
0x4: {  	_ = 	snop  }
0x5: {  	_ = 	snop  }
0x6: {  	_ = 	snop  }
0x7: {  	_ = 	snop  }
__scs_overlays_trampoline_lowered:
0x8: {  	[smem:$0x3FA7] =	sst s0  }
0x9: {  	[smem:$0x3FA8] =	sst s1  }
0xa: {  	[smem:$0x3FA9] =	sst s2  }
0xb: {  	[smem:$0x3FAA] =	sst s3  }
0xc: {  	[smem:$0x3FAB] =	sst s4  }
0xd: {  	[smem:$0x3FAC] =	sst s5  }
0xe: {  	[smem:$0x3FAD] =	sst s6  }
0xf: {  	[smem:$0x3FAE] =	sst s7  }
0x10: {  	[smem:$0x3FAF] =	sst s8  }
0x11: {  	[smem:$0x3FB0] =	sst s9;
	s0 =	simm.s32 @!p0 $0x0  }
0x12: {  	s1 =	sld [smem:$0x3F96];
	s0 =	simm.s32 @p0 $0x1  }
0x13: {  	[smem:$0x3FB1] =	sst s0;
	s0 =	simm.s32 @!p1 $0x0  }
0x14: {  	s2 =	sld [smem:$0x3F95];
	s0 =	simm.s32 @p1 $0x1  }
0x15: {  	[smem:$0x3FB2] =	sst s0;
	s0 =	simm.s32 @!p2 $0x0  }
0x16: {  	s3 =	sld [smem:$0x3FDB];
	s0 =	simm.s32 @p2 $0x1  }
0x17: {  	s4 =	simm.s32 $0x1BF5;
	[smem:$0x3FB4] =	sst s0  }
0x18: {  	s0 =	sld [smem:$0x3F97];
	_ =	swait.ge [sflag:s4], $0x0  }
0x19: {  	s7 =	sld [smem:$0x3F98]  }
0x1a: {  	s8 =	sadd.s32 $0xFFFFE003, lr  }
0x1b: {  	s9 =	sadd.s32 $0xFFFFFEF7, lr;
	s5 =	simm.s32 $0xFFFFFFFF;
	p2 =	slt.u32 s8, $0xFFFFF086  }
0x1c: {  	p1 =	slt.u32 s9, $0xF7A;
	s5 =	simm.s32 @!p2 $0x0  }
0x1d: {  	s5 =	simm.s32 @p1 $0x1;
	p0 =	seq.s32 s7, s2  }
0x1e: {  	s7 =	smul.u32 @!p0 $0xF7A, s2;
	p2 =	seq.s32 @!p0 s5, $0x0  }
0x1f: {  	s9 =	smul.u32 $0xF7A, s1;
	s8 =	simm.s32 @!p0 $0x1BF5;
	p2 =	por !p2, p0  }
0x20: {  	[sflag:s8] =	ssyncset.s32 @!p0 $0xFFFFF086;
	s6 =	sadd.s32 @!p0 s3, s7;
	s7 =	simm.s32 @!p0 $0x108  }
0x21: {  	s3 =	sadd.s32 s3, s9;
	s6 =	sadd.s32 @!p0 $0x88, s6;
	s7 =	simm.s32 @p2 $0x1082  }
0x22: {  	[simem:s7], [sflag:s8] =	dma.local @!p0 [hbm:s6], $0xF7A  }
0x23: {  	s9 =	sor.u32 $0xD0000000, s2;
	s6 =	simm.s32 $0x108;
	_ =	swait.ge @!p0 [sflag:s8], $0x0  }
0x24: {  	s3 =	sadd.s32 $0x88, s3;
	s6 =	simm.s32 @!p1 $0x1082;
	[sflag:s4] =	ssyncset.s32 $0xFFFFF086  }
0x25: {  	[simem:s6], [sflag:s4] =	dma.local [hbm:s3], $0xF7A  }
0x26: {  	[smem:$0x3F98] =	sst s1;
	(tag) =	ssettag s2;
	_ =	strace s9  }
0x27: {  	s1 =	sld [smem:$0x3FA8]  }
0x28: {  	s2 =	sld [smem:$0x3FA9]  }
0x29: {  	s4 =	sld [smem:$0x3FAB]  }
0x2a: {  	p0 =	seq.s32 s5, $0x0;
	s5 =	sld [smem:$0x3FAC]  }
0x2b: {  	s6 =	sld [smem:$0x3FAD]  }
0x2c: {  	s7 =	sld [smem:$0x3FAE]  }
0x2d: {  	s3 =	simm.s32 $0x108;
	s8 =	sld [smem:$0x3FAF]  }
0x2e: {  	s3 =	simm.s32 @!p0 $0x1082;
	s9 =	sld [smem:$0x3FB0]  }
0x2f: {  	lr =	sadd.s32 s0, s3;
	s0 =	sld [smem:$0x3FA7]  }
0x30: {  	s3 =	sld [smem:$0x3FAA]  }
0x31: {  	[smem:$0x3FB3] =	sst s10  }
0x32: {  	s10 =	sld [smem:$0x3FB1];
	_ =	sdelay $0x3  }
0x33: {  	p0 =	seq.s32 s10, $0x1;
	s10 =	sld [smem:$0x3FB3];
	_ =	sdelay $0x3  }
0x34: {  	[smem:$0x3FB3] =	sst s10  }
0x35: {  	s10 =	sld [smem:$0x3FB2];
	_ =	sdelay $0x3  }
0x36: {  	p1 =	seq.s32 s10, $0x1;
	s10 =	sld [smem:$0x3FB3];
	_ =	sdelay $0x3  }
0x37: {  	[smem:$0x3FB3] =	sst s10  }
0x38: {  	s10 =	sld [smem:$0x3FB4]  }
0x39: {  	_ = 	snop;
	(pc) =	sbr.ind lr, $3  }
0x3a: {  	_ = 	snop  }
0x3b: {  	_ = 	snop  }
0x3c: {  	p2 =	seq.s32 s10, $0x1;
	s10 =	sld [smem:$0x3FB3]  }
0x3d: {  	_ =	shalt  }
0x3e: {  	_ =	shalt  }
0x3f: {  	_ =	shalt  }
0x40: {  	_ =	shalt  }
0x41: {  	_ =	shalt  }
0x42: {  	_ =	shalt  }
0x43: {  	_ =	shalt  }
0x44: {  	_ =	shalt  }
0x45: {  	_ =	shalt  }
0x46: {  	_ =	shalt  }
0x47: {  	_ =	shalt  }
0x48: {  	_ =	shalt  }
0x49: {  	_ =	shalt  }
0x4a: {  	_ =	shalt  }
0x4b: {  	_ =	shalt  }
0x4c: {  	_ =	shalt  }
0x4d: {  	_ =	shalt  }
0x4e: {  	_ =	shalt  }
0x4f: {  	_ =	shalt  }
0x50: {  	_ =	shalt  }
0x51: {  	_ =	shalt  }
0x52: {  	_ =	shalt  }
0x53: {  	_ =	shalt  }
0x54: {  	_ =	shalt  }
0x55: {  	_ =	shalt  }
0x56: {  	_ =	shalt  }
0x57: {  	_ =	shalt  }
0x58: {  	_ =	shalt  }
0x59: {  	_ =	shalt  }
0x5a: {  	_ =	shalt  }
0x5b: {  	_ =	shalt  }
0x5c: {  	_ =	shalt  }
0x5d: {  	_ =	shalt  }
0x5e: {  	_ =	shalt  }
0x5f: {  	_ =	shalt  }
0x60: {  	_ =	shalt  }
0x61: {  	_ =	shalt  }
0x62: {  	_ =	shalt  }
0x63: {  	_ =	shalt  }
0x64: {  	_ =	shalt  }
0x65: {  	_ =	shalt  }
0x66: {  	_ =	shalt  }
0x67: {  	_ =	shalt  }
0x68: {  	_ =	shalt  }
0x69: {  	_ =	shalt  }
0x6a: {  	_ =	shalt  }
0x6b: {  	_ =	shalt  }
0x6c: {  	_ =	shalt  }
0x6d: {  	_ =	shalt  }
0x6e: {  	_ =	shalt  }
0x6f: {  	_ =	shalt  }
0x70: {  	_ =	shalt  }
0x71: {  	_ =	shalt  }
0x72: {  	_ =	shalt  }
0x73: {  	_ =	shalt  }
0x74: {  	_ =	shalt  }
0x75: {  	_ =	shalt  }
0x76: {  	_ =	shalt  }
0x77: {  	_ =	shalt  }
0x78: {  	_ =	shalt  }
0x79: {  	_ =	shalt  }
0x7a: {  	_ =	shalt  }
0x7b: {  	_ =	shalt  }
0x7c: {  	_ =	shalt  }
0x7d: {  	_ =	shalt  }
0x7e: {  	_ =	shalt  }
0x7f: {  	_ =	shalt  }
0x80: {  	_ =	shalt  }
0x81: {  	_ =	shalt  }
0x82: {  	_ =	shalt  }
0x83: {  	_ =	shalt  }
0x84: {  	_ =	shalt  }
0x85: {  	_ =	shalt  }
0x86: {  	_ =	shalt  }
0x87: {  	_ =	shalt  }
.Lfunc_end0:
.L_simem_size_0:
called_computation.1_lowered:
.L_overlay_start_0:
0x88: {  	s2 =	sld [smem:$0x3FD9]  }
0x89: {  	s3 =	sld [smem:$0x3FFE];
	_ =	sdelay $0x1  }
0x8a: {  	s1 =	srdreg.scid  }
0x8b: {  	s0 =	sand.u32 $0x1, s1  }
0x8c: {  	s16 =	sshll.u32 s0, $0xA;
	s2 =	sadd.s32 s3, s2  }
0x8d: {  	s2 =	sadd.s32 s2, s16  }
0x8e: {  	[smem:$0x3FBF] =	sst s2  }
0x8f: {  	_ = 	snop  }
0x90: {  	(tm) =	ssettm $0x1  }
0x91: {  	s17 =	sld [smem:$0x3FFB];
	_ =	sdelay $0x3  }
0x92: {  	_ =	strace s17  }
0x93: {  	s2 =	sld [smem:$0x3FFC];
	_ =	sdelay $0x3  }
0x94: {  	_ =	strace s2  }
0x95: {  	s2 =	sld [smem:$0x3FFD];
	_ =	sdelay $0x3  }
0x96: {  	_ =	strace s2  }
0x97: {  	_ =	strace $0x8FFFFFFF  }
0x98: {  	s18 =	sld [smem:$0x3FDB];
	_ =	sdelay $0x1  }
0x99: {  	s19 =	simm.s32 $_scs_section_size  }
0x9a: {  	s4 =	simm.s32 $_size__tile_overlayer_lowered;
	s5 =	simm.s32 $_tile_overlayer_lowered  }
0x9b: {  	s22 =	simm.s32 $0x1BFF;
	s21 =	sshll.u32 s5, $0x1;
	s2 =	sadd.s32 s19, s18  }
0x9c: {  	s6 =	simm.s32 $0x0;
	s20 =	sshll.u32 s4, $0x1;
	s4 =	sadd.s32 s21, s2  }
0x9d: {  	[timem:s6], [sflag:s22] =	dma.local [hbm:s4], s20  }
0x9e: {  	_ =	swait.ge [sflag:s22], s20  }
0x9f: {  	s3 =	ssub.s32 $0x0, s20;
	[sflag:s22] =	ssyncset.done $0x0  }
0xa0: {  	[sflag:s22] =	ssyncadd.s32 s3;
	_ =	sdelay $0x1  }
0xa1: {  	s23 =	simm.s32 $0x1B8B  }
0xa2: {  	_ =	swait.ge [sflag:s23], $0x1  }
0xa3: {  	[sflag:s23] =	ssyncset.done $0x0  }
0xa4: {  	s25 =	simm.s32 $0x1B8E;
	s24 =	sld [smem:$0x3FFE];
	[sflag:s23] =	ssyncadd.s32 $0xFFFFFFFF  }
0xa5: {  	s26 =	simm.s32 $execute0_lowered;
	[smem:$0x3FD2] =	sst s25  }
0xa6: {  	s4 =	sshll.u32 s26, $0x1;
	_ =	strace $0x80000049;
	[dreg:$0x1] =	wrdreg $0xFFFFFFFF  }
0xa7: {  	s28 =	simm.s32 $_size_execute0_lowered;
	s2 =	sadd.s32 s2, s4;
	[dreg:$0x0] =	wrdreg $0x0  }
0xa8: {  	s4 =	sshll.u32 s28, $0x1;
	[dreg:$0x2] =	wrdreg s2  }
0xa9: {  	[dreg:$0x3] =	wrdreg s4  }
0xaa: {  	[dreg:$0x4] =	wrdreg $0xC0  }
0xab: {  	_ =	task [dreg:s6], $0x5FFFF  }
0xac: {  	[dreg:$0x1] =	wrdreg $0xFFFFFFFF  }
0xad: {  	[dreg:$0x0] =	wrdreg $0x60  }
0xae: {  	[dreg:$0x2] =	wrdreg s24  }
0xaf: {  	[dreg:$0x3] =	wrdreg $0x0  }
0xb0: {  	[dreg:$0x4] =	wrdreg $0x9  }
0xb1: {  	_ =	task.clear_ibuf [dreg:s6], $0x5FFFF;
	_ =	strace $0x90000049  }
0xb2: {  	s29 =	simm.s32 $0x9;
	_ =	strace $0x8000004B  }
0xb3: {  	_ =	swait.ge [sflag:s29], $0x1  }
0xb4: {  	[sflag:s29] =	ssyncadd.s32 $0xFFFFFFFF  }
0xb5: {  	_ =	strace $0x9000004B  }
0xb6: {  	_ =	sfence  }
0xb7: {  	s30 =	sld [smem:$0x0];
	_ =	sdelay $0x2  }
0xb8: {  	s31 =	sshll.u32 s1, $0xD;
	s1 =	sshrl.u32 s1, $0x2  }
0xb9: {  	s3 =	sand.u32 $0x4000, s31;
	s1 =	sadd.s32 s1, s30  }
0xba: {  	s0 =	sor.u32 s3, s0;
	s1 =	sshll.u32 s1, $0x11  }
0xbb: {  	s0 =	sor.u32 s1, s0  }
0xbc: {  	s0 =	sadd.s32 $0x8F2B, s0  }
0xbd: {  	[sflag:s0] =	ssyncadd.remote.s32 $0x1  }
0xbe: {  	_ =	sfence.sel $0xFFFF  }
0xbf: {  	[dreg:$0x0] =	wrdreg $0xFFFFFFFF;
	(pc) =	sbr.abs _section_cstart, $3  }
0xc0: {  	[dreg:$0x1] =	wrdreg $0xFFFFFFFF  }
0xc1: {  	_ =	task.clear_ibuf [dreg:s6], $0x2FFFF;
	_ =	strace $0x9FFFFFFF  }
0xc2: {  	(tm) =	ssettm $0x7FFFFFFF  }
0xc3: {  	_ =	shalt  }
tec
execute0_lowered:
.L_overlay_start_1:
0x0: {  	(tag) =	ssettag $0x1  }
0x1: {  	s5 =	rddreg [dreg:$0x0]  }
0x2: {  	s1 =	srdreg.scid;
	s0 =	stileid.u32  }
0x3: {  	s2 =	rddreg [dreg:$0x1];
	s3 =	simm.s32 $0x0;
	s12 =	simm.s32 $0x7  }
0x4: {  	s13 =	simm.s32 $0x8;
	s14 =	simm.s32 $0x9;
	s6 =	smul.u32 $0x4E20, s0  }
0x5: {  	s4 =	sand.u32 $0x1, s1;
	s1 =	rddreg [dreg:$0x2];
	s24 =	smul.u32 $0x2800, s0  }
0x6: {  	s15 =	simm.s32 $0x0;
	[smem:$0x7FF] =	sst s3;
	s28 =	smul.u32 $0x50000, s0  }
0x7: {  	s8 =	sadd.s32 $0x16A00, s5;
	s31 =	sshll.u32 s0, $0x6;
	s7 =	smul.u32 $0x2710, s4  }
0x8: {  	_ =	strace $0x8000004A;
	s9 =	smul.u32 $0x28000, s4;
	s26 =	ssub.s32 $0x2, s4  }
0x9: {  	[dreg:$0x3] =	wrdreg s8;
	s4 =	sadd.s32 $0x3DC00, s5;
	s29 =	sshrl.u32 s26, $0x1  }
0xa: {  	s30 =	sshrl.u32 s28, $0x2;
	s6 =	sadd.s32 s7, s6;
	s25 =	sadd.s32 s24, s9  }
0xb: {  	s7 =	ssub.s32 s26, s29;
	s11 =	sadd.s32 s30, s2;
	s6 =	sshrl.u32 s6, $0x3  }
0xc: {  	s7 =	smax.u32 s7, $0x1;
	s10 =	sadd.s32 s6, s5;
	s6 =	sadd.s32 s25, s5  }
0xd: {  	s5 =	sor.u32 $0x1C0A, s31;
	s6 =	sadd.s32 $0x40400, s6;
	s8 =	sadd.s32 $0xCC00, s10  }
0xe: {  	s9 =	sadd.s32 $0x2E00, s10;
	s10 =	sshrl.u32 s11, $0x3;
	s11 =	simm.s32 $0xA  }
.LBB2_1:
0xf: {  	p2 =	por $0x0, $0x0  }
0x10: {  	[spmem:s10], [sflag:s5] =	dma.local [hbm:s4], $0x2800  }
0x11: {  	p0 =	por $0x1, $0x1;
	s16 =	smul.u32 @!p2 $0xAB, s3  }
0x12: {  	p1 =	por @!p0 $0x0, $0x0  }
0x13: {  	p1 =	por p1, p0;
	s16 =	sshrl.u32 @!p2 s16, $0x9  }
0x14: {  	s17 =	simm.s32 @!p1 $0xFFFFFFFF;
	s16 =	sand.u32 @!p2 $0x7F, s16  }
0x15: {  	_ =	swait.ge [sflag:s11], $0x2800;
	s17 =	sand.u32 @!p1 $0xFF, s17;
	s16 =	smul.u32 @!p2 $0x3, s16  }
0x16: {  	[sflag:s11] =	ssyncset.done $0x0;
	s17 =	smul.u32 @!p1 $0xAB, s17  }
0x17: {  	p0 =	por @!p2 $0x1, $0x1;
	[sflag:s11] =	ssyncadd.s32 $0xFFFFD800;
	s16 =	ssub.s32 @!p2 $0x0, s16  }
0x18: {  	p0 =	por p0, p2;
	s17 =	sshrl.u32 @!p1 s17, $0x9;
	s16 =	sand.u32 @!p2 $0xFF, s16  }
0x19: {  	[bflag:$0x0] =	sbarrier.arrive $0xFFFF;
	s17 =	smul.u32 @!p1 $0x3, s17;
	s18 =	sadd.s32 @!p0 $0x7, s16  }
0x1a: {  	s19 =	sshll.u32 @!p2 s16, $0x7;
	s16 =	sadd.s32 @!p2 $0x1, s16;
	_ =	swait.ge @!p0 [sflag:s18], $0x2800  }
0x1b: {  	s20 =	sadd.s32 @!p2 $0x14000, s19;
	s17 =	ssub.s32 @!p1 $0xFFFFFFFF, s17;
	[sflag:s18] =	ssyncset.done @!p0 $0x0  }
0x1c: {  	[sflag:s18] =	ssyncadd.s32 @!p0 $0xFFFFD800;
	s18 =	simm.s32 @!p2 $0x0;
	p0 =	por $0x1, $0x1  }
0x1d: {  	[tilespmem:s20], [sflag:s16] =	stream.linear.gather @!p2 [hbm4b:s9+s18], $0x50, $0x38;
	[tilespmem:$0x1BC00] =	vst v63  }
0x1e: {  	s17 =	sand.u32 @!p1 $0xFF, s17;
	s20 =	simm.s32 @!p0 $0xFFFFFFFE  }
0x1f: {  	s19 =	sadd.s32 @!p2 $0x14200, s19;
	s21 =	sadd.s32 @!p1 $0x1, s17;
	s20 =	sand.u32 @!p0 $0xFF, s20  }
0x20: {  	[tilespmem:s19], [sflag:s16] =	stream.linear.gather @!p2 [hbm4b:s8+s18], $0x50, $0x38;
	[tilespmem:$0x1BC00] =	vst v63  }
0x21: {  	s22 =	sor.u32 @!p1 $0x4, s17;
	s16 =	simm.s32 $0x1;
	s18 =	smul.u32 @!p0 $0xAB, s20  }
0x22: {  	s19 =	sshll.u32 @!p1 s17, $0x7;
	s20 =	smul.u32 @!p1 $0xA000, s17;
	_ =	swait.ge @!p1 [sflag:s21], $0x50  }
0x23: {  	s17 =	sadd.s32 $0xA, s8;
	[sflag:s21] =	ssyncset.done @!p1 $0x0;
	s18 =	sshrl.u32 @!p0 s18, $0x9  }
0x24: {  	s20 =	sshrl.u32 @!p1 s20, $0x2;
	[sflag:s21] =	ssyncadd.s32 @!p1 $0xFFFFFFB0;
	s18 =	smul.u32 @!p0 $0x3, s18  }
0x25: {  	s19 =	sor.u32 @!p1 $0x14000, s19;
	s20 =	sadd.s32 @!p1 $0x14400, s20;
	_ =	swait.ge @!p1 [sflag:s21], $0x50  }
0x26: {  	s23 =	rddreg [dreg:$0x3];
	s18 =	ssub.s32 @!p0 $0xFFFFFFFE, s18;
	[sflag:s21] =	ssyncset.done @!p1 $0x0  }
0x27: {  	s24 =	sand.u32 @!p0 $0xFF, s18;
	[sflag:s21] =	ssyncadd.s32 @!p1 $0xFFFFFFB0;
	s18 =	simm.s32 @!p1 $0x50  }
0x28: {  	[tilespmem:s20], [sflag:s22] =	stream.indirect.gather @!p1 [hbm4b:s23+s18], $0x80, s19, s18, $0xb8;
	[tilespmem:$0x1BC00] =	vst v63  }
0x29: {  	s18 =	sadd.s32 $0xA, s9;
	s19 =	simm.s32 @!p0 $0x50;
	s22 =	smul.u32 @!p0 $0xA000, s24  }
0x2a: {  	s20 =	sor.u32 @!p0 $0x4, s24;
	s23 =	sshll.u32 @!p0 s24, $0x7;
	s21 =	sadd.s32 @!p0 $0x7, s24  }
.LBB2_2:
0x2b: {  	_ =	swait.ge @!p0 [sflag:s20], $0x2800;
	s23 =	sor.u32 @!p0 $0x14200, s23  }
0x2c: {  	p3 =	sgt.u32 s16, $0x7C;
	s22 =	sshrl.u32 @!p0 s22, $0x2;
	[sflag:s20] =	ssyncset.done @!p0 $0x0  }
0x2d: {  	s25 =	smul.u32 @!p3 $0xAB, s16;
	s22 =	sadd.s32 @!p0 $0x14400, s22;
	[sflag:s20] =	ssyncadd.s32 @!p0 $0xFFFFD800  }
0x2e: {  	[spmem:s2] =	stream.indirect.scatter.add.f32 @!p0 [tilespmem:s22], [sflag:s21], $0x80, s23, s19, $0xb8;
	[tilespmem:$0x1BC00] =	vst v63  }
0x2f: {  	s24 =	smov.u32 s16;
	s19 =	sshrl.u32 @!p3 s25, $0x9  }
0x30: {  	p0 =	seq.s32 s24, $0x0;
	s19 =	sand.u32 @!p3 $0x7F, s19  }
0x31: {  	p2 =	seq.s32 @!p0 s24, $0x7E;
	s19 =	smul.u32 @!p3 $0x3, s19  }
0x32: {  	p2 =	por p2, p0  }
0x33: {  	p4 =	slt.u32 @!p3 s16, $0x3;
	s20 =	sadd.s32 @!p2 $0xFFFFFFFF, s24;
	s19 =	ssub.s32 @!p3 s24, s19  }
0x34: {  	p4 =	por p4, p3;
	s21 =	sand.u32 @!p2 $0xFF, s20;
	s19 =	sand.u32 @!p3 $0xFF, s19  }
0x35: {  	s21 =	smul.u32 @!p2 $0xAB, s21;
	s22 =	sadd.s32 @!p4 $0x7, s19  }
0x36: {  	s23 =	sshll.u32 @!p3 s19, $0x7;
	s19 =	sadd.s32 @!p3 $0x1, s19;
	_ =	swait.ge @!p4 [sflag:s22], $0x2800  }
0x37: {  	s25 =	sadd.s32 @!p3 $0x14000, s23;
	s21 =	sshrl.u32 @!p2 s21, $0x9;
	[sflag:s22] =	ssyncset.done @!p4 $0x0  }
0x38: {  	s21 =	smul.u32 @!p2 $0x3, s21;
	[sflag:s22] =	ssyncadd.s32 @!p4 $0xFFFFD800;
	s22 =	simm.s32 @!p3 $0x0  }
0x39: {  	[tilespmem:s25], [sflag:s19] =	stream.linear.gather @!p3 [hbm4b:s18+s22], $0x50, $0x38;
	[tilespmem:$0x1BC00] =	vst v63  }
0x3a: {  	s16 =	sadd.s32 $0x1, s16;
	p0 =	slt.u32 s24, $0x2;
	s20 =	ssub.s32 @!p2 s20, s21  }
0x3b: {  	s23 =	sadd.s32 @!p3 $0x14200, s23;
	s21 =	sadd.s32 @!p0 $0xFFFFFFFE, s24;
	s20 =	sand.u32 @!p2 $0xFF, s20  }
0x3c: {  	s24 =	sand.u32 @!p0 $0xFF, s21;
	s25 =	sadd.s32 @!p2 $0x1, s20;
	s28 =	smul.u32 @!p2 $0xA000, s20  }
0x3d: {  	s26 =	sshll.u32 @!p2 s20, $0x7;
	s29 =	sor.u32 @!p2 $0x4, s20;
	s20 =	smul.u32 @!p0 $0xAB, s24  }
0x3e: {  	[tilespmem:s23], [sflag:s19] =	stream.linear.gather @!p3 [hbm4b:s17+s22], $0x50, $0x38;
	[tilespmem:$0x1BC00] =	vst v63  }
0x3f: {  	p1 =	sne.s32 s16, $0x7F;
	s18 =	sadd.s32 $0xA, s18;
	_ =	swait.ge @!p2 [sflag:s25], $0x50  }
0x40: {  	s19 =	sshrl.u32 @!p2 s28, $0x2;
	s20 =	sshrl.u32 @!p0 s20, $0x9;
	[sflag:s25] =	ssyncset.done @!p2 $0x0  }
0x41: {  	s24 =	sadd.s32 @!p2 $0x14400, s19;
	s19 =	smul.u32 @!p0 $0x3, s20;
	[sflag:s25] =	ssyncadd.s32 @!p2 $0xFFFFFFB0  }
0x42: {  	s17 =	sadd.s32 $0xA, s17;
	s26 =	sor.u32 @!p2 $0x14000, s26;
	_ =	swait.ge @!p2 [sflag:s25], $0x50  }
.Ltmp0:
0x43: {  	s20 =	ssub.s32 @!p0 s21, s19;
	s19 =	simm.s32 @!p0 $0x50;
	(pc) =	sbr.rel @p1 .LBB2_2-.Ltmp0, $4  }
0x44: {  	[sflag:s25] =	ssyncset.done @!p2 $0x0;
	s28 =	rddreg [dreg:$0x3];
	s21 =	sand.u32 @!p0 $0xFF, s20  }
0x45: {  	[sflag:s25] =	ssyncadd.s32 @!p2 $0xFFFFFFB0;
	s25 =	simm.s32 @!p2 $0x50;
	s22 =	smul.u32 @!p0 $0xA000, s21  }
0x46: {  	s20 =	sor.u32 @!p0 $0x4, s21;
	s23 =	sshll.u32 @!p0 s21, $0x7;
	s21 =	sadd.s32 @!p0 $0x7, s21  }
0x47: {  	[tilespmem:s24], [sflag:s29] =	stream.indirect.gather @!p2 [hbm4b:s28+s25], $0x80, s26, s25, $0xb8;
	[tilespmem:$0x1BC00] =	vst v63  }
0x48: {  	_ =	swait.ge @!p0 [sflag:s20], $0x2800  }
0x49: {  	s16 =	sshrl.u32 @!p0 s22, $0x2;
	[sflag:s20] =	ssyncset.done @!p0 $0x0  }
0x4a: {  	s17 =	sor.u32 @!p0 $0x14200, s23;
	s16 =	sadd.s32 @!p0 $0x14400, s16;
	[sflag:s20] =	ssyncadd.s32 @!p0 $0xFFFFD800  }
0x4b: {  	[spmem:s2] =	stream.indirect.scatter.add.f32 @!p0 [tilespmem:s16], [sflag:s21], $0x80, s17, s19, $0xb8;
	[tilespmem:$0x1BC00] =	vst v63  }
0x4c: {  	_ =	swait.ge [sflag:s12], $0x2800  }
0x4d: {  	[sflag:s12] =	ssyncset.done $0x0  }
0x4e: {  	[sflag:s12] =	ssyncadd.s32 $0xFFFFD800  }
0x4f: {  	_ =	swait.ge [sflag:s13], $0x2800  }
0x50: {  	[sflag:s13] =	ssyncset.done $0x0  }
0x51: {  	[sflag:s13] =	ssyncadd.s32 $0xFFFFD800  }
0x52: {  	_ =	swait.ge [sflag:s14], $0x2800  }
0x53: {  	s15 =	sadd.s32 $0x1, s15;
	[sflag:s14] =	ssyncset.done $0x0  }
0x54: {  	p0 =	sne.s32 s15, s7;
	[sflag:s14] =	ssyncadd.s32 $0xFFFFD800  }
.Ltmp1:
0x55: {  	[bflag:$0x0] =	sbarrier.arrive $0xFFFF;
	(pc) =	sbr.rel @p0 .LBB2_1-.Ltmp1, $4  }
0x56: {  	[hbm:s6], [sflag:s5] =	dma.local [spmem:s10], $0x2800  }
0x57: {  	_ =	swait.ge [sflag:s11], $0x2800  }
0x58: {  	[sflag:s11] =	ssyncset.done $0x0  }
0x59: {  	[sflag:s11] =	ssyncadd.s32 $0xFFFFD800  }
0x5a: {  	_ =	sfence.sel $0x180000  }
0x5b: {  	[bflag:$0x0] =	sbarrier.arrive $0xFFFF  }
0x5c: {  	p0 =	sne.s32 s0, $0x0;
	_ =	strace $0x9000004A  }
0x5d: {  	s0 =	sadd.s32 @!p0 $0x100000, s1;
	[bflag:$0x2] =	sbarrier.arrive $0xFFFF  }
0x5e: {  	[sflag:s0] =	ssyncadd.tile.s32 @!p0 $0x1;
	_ =	shalt  }
.Lfunc_end2:
_tile_overlayer_lowered:
.L_overlay_start_2:
0x5f: {  	(tag) =	ssettag $0x2  }
0x60: {  	s0 =	rddreg [dreg:$0x0];
	s2 =	stileid.u32  }
0x61: {  	s1 =	rddreg [dreg:$0x1];
	p0 =	sne.s32 s2, $0x0  }
0x62: {  	s3 =	rddreg [dreg:$0x2];
	[bflag:$0x3] =	sbarrier.arrive $0xFFFF;
	s2 =	simm.s32 @!p0 $0x1C0A  }
0x63: {  	[timem:s3], [sflag:s2] =	dma.local @!p0 [hbm:s0], s1  }
0x64: {  	s0 =	simm.s32 @!p0 $0xA  }
0x65: {  	_ =	swait.ge @!p0 [sflag:s0], s1  }
0x66: {  	s1 =	ssub.s32 @!p0 $0x0, s1;
	[sflag:s0] =	ssyncset.done @!p0 $0x0  }
0x67: {  	[sflag:s0] =	ssyncadd.s32 @!p0 s1  }
0x68: {  	[bflag:$0x3] =	sbarrier.arrive $0xFFFF  }
0x69: {  	_ =	shalt  }

// kernel: kernel.14.cloned.1.call-start
scs
__scs_entry_jumppad:
0x0: {  	(pc) =	sbr.rel $0x88, $3  }
0x1: {  	(tag) =	ssettag $0x0;
	lr =	simm.s32 $0x1  }
0x2: {  	[smem:$0x3F98] =	sst lr;
	_ =	strace $0xD0000000  }
0x3: {  	_ = 	snop  }
0x4: {  	_ = 	snop  }
0x5: {  	_ = 	snop  }
0x6: {  	_ = 	snop  }
0x7: {  	_ = 	snop  }
__scs_overlays_trampoline_lowered:
0x8: {  	[smem:$0x3FA7] =	sst s0  }
0x9: {  	[smem:$0x3FA8] =	sst s1  }
0xa: {  	[smem:$0x3FA9] =	sst s2  }
0xb: {  	[smem:$0x3FAA] =	sst s3  }
0xc: {  	[smem:$0x3FAB] =	sst s4  }
0xd: {  	[smem:$0x3FAC] =	sst s5  }
0xe: {  	[smem:$0x3FAD] =	sst s6  }
0xf: {  	[smem:$0x3FAE] =	sst s7  }
0x10: {  	[smem:$0x3FAF] =	sst s8  }
0x11: {  	[smem:$0x3FB0] =	sst s9;
	s0 =	simm.s32 @!p0 $0x0  }
0x12: {  	s1 =	sld [smem:$0x3F96];
	s0 =	simm.s32 @p0 $0x1  }
0x13: {  	[smem:$0x3FB1] =	sst s0;
	s0 =	simm.s32 @!p1 $0x0  }
0x14: {  	s2 =	sld [smem:$0x3F95];
	s0 =	simm.s32 @p1 $0x1  }
0x15: {  	[smem:$0x3FB2] =	sst s0;
	s0 =	simm.s32 @!p2 $0x0  }
0x16: {  	s3 =	sld [smem:$0x3FDB];
	s0 =	simm.s32 @p2 $0x1  }
0x17: {  	s4 =	simm.s32 $0x1BF5;
	[smem:$0x3FB4] =	sst s0  }
0x18: {  	s0 =	sld [smem:$0x3F97];
	_ =	swait.ge [sflag:s4], $0x0  }
0x19: {  	s7 =	sld [smem:$0x3F98]  }
0x1a: {  	s8 =	sadd.s32 $0xFFFFE003, lr  }
0x1b: {  	s9 =	sadd.s32 $0xFFFFFEF7, lr;
	s5 =	simm.s32 $0xFFFFFFFF;
	p2 =	slt.u32 s8, $0xFFFFF086  }
0x1c: {  	p1 =	slt.u32 s9, $0xF7A;
	s5 =	simm.s32 @!p2 $0x0  }
0x1d: {  	s5 =	simm.s32 @p1 $0x1;
	p0 =	seq.s32 s7, s2  }
0x1e: {  	s7 =	smul.u32 @!p0 $0xF7A, s2;
	p2 =	seq.s32 @!p0 s5, $0x0  }
0x1f: {  	s9 =	smul.u32 $0xF7A, s1;
	s8 =	simm.s32 @!p0 $0x1BF5;
	p2 =	por !p2, p0  }
0x20: {  	[sflag:s8] =	ssyncset.s32 @!p0 $0xFFFFF086;
	s6 =	sadd.s32 @!p0 s3, s7;
	s7 =	simm.s32 @!p0 $0x108  }
0x21: {  	s3 =	sadd.s32 s3, s9;
	s6 =	sadd.s32 @!p0 $0x88, s6;
	s7 =	simm.s32 @p2 $0x1082  }
0x22: {  	[simem:s7], [sflag:s8] =	dma.local @!p0 [hbm:s6], $0xF7A  }
0x23: {  	s9 =	sor.u32 $0xD0000000, s2;
	s6 =	simm.s32 $0x108;
	_ =	swait.ge @!p0 [sflag:s8], $0x0  }
0x24: {  	s3 =	sadd.s32 $0x88, s3;
	s6 =	simm.s32 @!p1 $0x1082;
	[sflag:s4] =	ssyncset.s32 $0xFFFFF086  }
0x25: {  	[simem:s6], [sflag:s4] =	dma.local [hbm:s3], $0xF7A  }
0x26: {  	[smem:$0x3F98] =	sst s1;
	(tag) =	ssettag s2;
	_ =	strace s9  }
0x27: {  	s1 =	sld [smem:$0x3FA8]  }
0x28: {  	s2 =	sld [smem:$0x3FA9]  }
0x29: {  	s4 =	sld [smem:$0x3FAB]  }
0x2a: {  	p0 =	seq.s32 s5, $0x0;
	s5 =	sld [smem:$0x3FAC]  }
0x2b: {  	s6 =	sld [smem:$0x3FAD]  }
0x2c: {  	s7 =	sld [smem:$0x3FAE]  }
0x2d: {  	s3 =	simm.s32 $0x108;
	s8 =	sld [smem:$0x3FAF]  }
0x2e: {  	s3 =	simm.s32 @!p0 $0x1082;
	s9 =	sld [smem:$0x3FB0]  }
0x2f: {  	lr =	sadd.s32 s0, s3;
	s0 =	sld [smem:$0x3FA7]  }
0x30: {  	s3 =	sld [smem:$0x3FAA]  }
0x31: {  	[smem:$0x3FB3] =	sst s10  }
0x32: {  	s10 =	sld [smem:$0x3FB1];
	_ =	sdelay $0x3  }
0x33: {  	p0 =	seq.s32 s10, $0x1;
	s10 =	sld [smem:$0x3FB3];
	_ =	sdelay $0x3  }
0x34: {  	[smem:$0x3FB3] =	sst s10  }
0x35: {  	s10 =	sld [smem:$0x3FB2];
	_ =	sdelay $0x3  }
0x36: {  	p1 =	seq.s32 s10, $0x1;
	s10 =	sld [smem:$0x3FB3];
	_ =	sdelay $0x3  }
0x37: {  	[smem:$0x3FB3] =	sst s10  }
0x38: {  	s10 =	sld [smem:$0x3FB4]  }
0x39: {  	_ = 	snop;
	(pc) =	sbr.ind lr, $3  }
0x3a: {  	_ = 	snop  }
0x3b: {  	_ = 	snop  }
0x3c: {  	p2 =	seq.s32 s10, $0x1;
	s10 =	sld [smem:$0x3FB3]  }
0x3d: {  	_ =	shalt  }
0x3e: {  	_ =	shalt  }
0x3f: {  	_ =	shalt  }
0x40: {  	_ =	shalt  }
0x41: {  	_ =	shalt  }
0x42: {  	_ =	shalt  }
0x43: {  	_ =	shalt  }
0x44: {  	_ =	shalt  }
0x45: {  	_ =	shalt  }
0x46: {  	_ =	shalt  }
0x47: {  	_ =	shalt  }
0x48: {  	_ =	shalt  }
0x49: {  	_ =	shalt  }
0x4a: {  	_ =	shalt  }
0x4b: {  	_ =	shalt  }
0x4c: {  	_ =	shalt  }
0x4d: {  	_ =	shalt  }
0x4e: {  	_ =	shalt  }
0x4f: {  	_ =	shalt  }
0x50: {  	_ =	shalt  }
0x51: {  	_ =	shalt  }
0x52: {  	_ =	shalt  }
0x53: {  	_ =	shalt  }
0x54: {  	_ =	shalt  }
0x55: {  	_ =	shalt  }
0x56: {  	_ =	shalt  }
0x57: {  	_ =	shalt  }
0x58: {  	_ =	shalt  }
0x59: {  	_ =	shalt  }
0x5a: {  	_ =	shalt  }
0x5b: {  	_ =	shalt  }
0x5c: {  	_ =	shalt  }
0x5d: {  	_ =	shalt  }
0x5e: {  	_ =	shalt  }
0x5f: {  	_ =	shalt  }
0x60: {  	_ =	shalt  }
0x61: {  	_ =	shalt  }
0x62: {  	_ =	shalt  }
0x63: {  	_ =	shalt  }
0x64: {  	_ =	shalt  }
0x65: {  	_ =	shalt  }
0x66: {  	_ =	shalt  }
0x67: {  	_ =	shalt  }
0x68: {  	_ =	shalt  }
0x69: {  	_ =	shalt  }
0x6a: {  	_ =	shalt  }
0x6b: {  	_ =	shalt  }
0x6c: {  	_ =	shalt  }
0x6d: {  	_ =	shalt  }
0x6e: {  	_ =	shalt  }
0x6f: {  	_ =	shalt  }
0x70: {  	_ =	shalt  }
0x71: {  	_ =	shalt  }
0x72: {  	_ =	shalt  }
0x73: {  	_ =	shalt  }
0x74: {  	_ =	shalt  }
0x75: {  	_ =	shalt  }
0x76: {  	_ =	shalt  }
0x77: {  	_ =	shalt  }
0x78: {  	_ =	shalt  }
0x79: {  	_ =	shalt  }
0x7a: {  	_ =	shalt  }
0x7b: {  	_ =	shalt  }
0x7c: {  	_ =	shalt  }
0x7d: {  	_ =	shalt  }
0x7e: {  	_ =	shalt  }
0x7f: {  	_ =	shalt  }
0x80: {  	_ =	shalt  }
0x81: {  	_ =	shalt  }
0x82: {  	_ =	shalt  }
0x83: {  	_ =	shalt  }
0x84: {  	_ =	shalt  }
0x85: {  	_ =	shalt  }
0x86: {  	_ =	shalt  }
0x87: {  	_ =	shalt  }
.Lfunc_end0:
.L_simem_size_0:
called_computation.2_lowered:
.L_overlay_start_0:
0x88: {  	s2 =	sld [smem:$0x3FD9]  }
0x89: {  	s3 =	sld [smem:$0x3FFE];
	_ =	sdelay $0x1  }
0x8a: {  	s1 =	srdreg.scid  }
0x8b: {  	s0 =	sand.u32 $0x1, s1  }
0x8c: {  	s16 =	sshll.u32 s0, $0xA;
	s2 =	sadd.s32 s3, s2  }
0x8d: {  	s2 =	sadd.s32 s2, s16  }
0x8e: {  	[smem:$0x3FBF] =	sst s2  }
0x8f: {  	_ = 	snop  }
0x90: {  	(tm) =	ssettm $0x1  }
0x91: {  	s17 =	sld [smem:$0x3FFB];
	_ =	sdelay $0x3  }
0x92: {  	_ =	strace s17  }
0x93: {  	s2 =	sld [smem:$0x3FFC];
	_ =	sdelay $0x3  }
0x94: {  	_ =	strace s2  }
0x95: {  	s2 =	sld [smem:$0x3FFD];
	_ =	sdelay $0x3  }
0x96: {  	_ =	strace s2  }
0x97: {  	_ =	strace $0x8FFFFFFF  }
0x98: {  	s18 =	sld [smem:$0x3FDB];
	_ =	sdelay $0x1  }
0x99: {  	s19 =	simm.s32 $_scs_section_size  }
0x9a: {  	s4 =	simm.s32 $_size__tile_overlayer_lowered;
	s5 =	simm.s32 $_tile_overlayer_lowered  }
0x9b: {  	s22 =	simm.s32 $0x1BFF;
	s21 =	sshll.u32 s5, $0x1;
	s2 =	sadd.s32 s19, s18  }
0x9c: {  	s6 =	simm.s32 $0x0;
	s20 =	sshll.u32 s4, $0x1;
	s4 =	sadd.s32 s21, s2  }
0x9d: {  	[timem:s6], [sflag:s22] =	dma.local [hbm:s4], s20  }
0x9e: {  	_ =	swait.ge [sflag:s22], s20  }
0x9f: {  	s3 =	ssub.s32 $0x0, s20;
	[sflag:s22] =	ssyncset.done $0x0  }
0xa0: {  	[sflag:s22] =	ssyncadd.s32 s3;
	_ =	sdelay $0x1  }
0xa1: {  	s23 =	simm.s32 $0x1B8B  }
0xa2: {  	_ =	swait.ge [sflag:s23], $0x1  }
0xa3: {  	[sflag:s23] =	ssyncset.done $0x0  }
0xa4: {  	s25 =	simm.s32 $0x1B8E;
	s24 =	sld [smem:$0x3FFE];
	[sflag:s23] =	ssyncadd.s32 $0xFFFFFFFF  }
0xa5: {  	s26 =	simm.s32 $execute0_lowered;
	[smem:$0x3FD2] =	sst s25  }
0xa6: {  	s4 =	sshll.u32 s26, $0x1;
	_ =	strace $0x8000004C;
	[dreg:$0x1] =	wrdreg $0xFFFFFFFF  }
0xa7: {  	s28 =	simm.s32 $_size_execute0_lowered;
	s2 =	sadd.s32 s2, s4;
	[dreg:$0x0] =	wrdreg $0x0  }
0xa8: {  	s4 =	sshll.u32 s28, $0x1;
	[dreg:$0x2] =	wrdreg s2  }
0xa9: {  	[dreg:$0x3] =	wrdreg s4  }
0xaa: {  	[dreg:$0x4] =	wrdreg $0xC0  }
0xab: {  	_ =	task [dreg:s6], $0x5FFFF  }
0xac: {  	[dreg:$0x1] =	wrdreg $0xFFFFFFFF  }
0xad: {  	[dreg:$0x0] =	wrdreg $0x60  }
0xae: {  	[dreg:$0x2] =	wrdreg s24  }
0xaf: {  	[dreg:$0x3] =	wrdreg $0x0  }
0xb0: {  	[dreg:$0x4] =	wrdreg $0x9  }
0xb1: {  	_ =	task.clear_ibuf [dreg:s6], $0x5FFFF;
	_ =	strace $0x9000004C  }
0xb2: {  	s29 =	simm.s32 $0x9;
	_ =	strace $0x8000004E  }
0xb3: {  	_ =	swait.ge [sflag:s29], $0x1  }
0xb4: {  	[sflag:s29] =	ssyncadd.s32 $0xFFFFFFFF  }
0xb5: {  	_ =	strace $0x9000004E  }
0xb6: {  	_ =	sfence  }
0xb7: {  	s30 =	sld [smem:$0x0];
	_ =	sdelay $0x2  }
0xb8: {  	s31 =	sshll.u32 s1, $0xD;
	s1 =	sshrl.u32 s1, $0x2  }
0xb9: {  	s3 =	sand.u32 $0x4000, s31;
	s1 =	sadd.s32 s1, s30  }
0xba: {  	s0 =	sor.u32 s3, s0;
	s1 =	sshll.u32 s1, $0x11  }
0xbb: {  	s0 =	sor.u32 s1, s0  }
0xbc: {  	s0 =	sadd.s32 $0x8F2B, s0  }
0xbd: {  	[sflag:s0] =	ssyncadd.remote.s32 $0x1  }
0xbe: {  	_ =	sfence.sel $0xFFFF  }
0xbf: {  	[dreg:$0x0] =	wrdreg $0xFFFFFFFF;
	(pc) =	sbr.abs _section_cstart, $3  }
0xc0: {  	[dreg:$0x1] =	wrdreg $0xFFFFFFFF  }
0xc1: {  	_ =	task.clear_ibuf [dreg:s6], $0x2FFFF;
	_ =	strace $0x9FFFFFFF  }
0xc2: {  	(tm) =	ssettm $0x7FFFFFFF  }
0xc3: {  	_ =	shalt  }
tec
execute0_lowered:
.L_overlay_start_1:
0x0: {  	(tag) =	ssettag $0x1  }
0x1: {  	s5 =	rddreg [dreg:$0x0]  }
0x2: {  	s2 =	rddreg [dreg:$0x1]  }
0x3: {  	s0 =	rddreg [dreg:$0x2]  }
0x4: {  	s1 =	stileid.u32;
	s3 =	simm.s32 $0x0;
	s6 =	srdreg.scid  }
0x5: {  	s12 =	simm.s32 $0x90400;
	s13 =	simm.s32 $0x8;
	s14 =	simm.s32 $0x9  }
0x6: {  	s15 =	simm.s32 $0x0;
	s4 =	smul.u32 $0x9C4, s1;
	[smem:$0x7FF] =	sst s3  }
0x7: {  	s6 =	sand.u32 $0x1, s6;
	s7 =	smul.u32 $0x2800, s1;
	s8 =	sadd.s32 $0x40400, s5  }
0x8: {  	s28 =	smul.u32 $0x50000, s1;
	s31 =	sshll.u32 s1, $0x6;
	_ =	strace $0x8000004D  }
0x9: {  	s9 =	smul.u32 $0x28000, s6;
	[dreg:$0x3] =	wrdreg s8;
	s11 =	ssub.s32 $0x2, s6  }
0xa: {  	p0 =	seq.s32 s6, $0x1;
	s10 =	sadd.s32 s4, s5;
	s4 =	sadd.s32 $0x3DC00, s5  }
0xb: {  	s29 =	sshrl.u32 s11, $0x1;
	s8 =	sshrl.u32 s28, $0x2;
	s12 =	simm.s32 @!p0 $0x2E00  }
0xc: {  	s7 =	sadd.s32 s7, s9;
	s9 =	ssub.s32 s11, s29;
	s30 =	sadd.s32 s8, s2  }
0xd: {  	s8 =	sadd.s32 $0xCC00, s10;
	s11 =	simm.s32 $0xA;
	s7 =	sadd.s32 s7, s5  }
0xe: {  	s5 =	sor.u32 $0x1C0A, s31;
	s6 =	sadd.s32 $0x9A200, s7;
	s7 =	smax.u32 s9, $0x1  }
0xf: {  	s9 =	sadd.s32 s12, s10;
	s10 =	sshrl.u32 s30, $0x3;
	s12 =	simm.s32 $0x7  }
.LBB2_1:
0x10: {  	p2 =	por $0x0, $0x0  }
0x11: {  	[spmem:s10], [sflag:s5] =	dma.local [hbm:s4], $0x2800  }
0x12: {  	p0 =	por $0x1, $0x1;
	s16 =	smul.u32 @!p2 $0xAB, s3  }
0x13: {  	p1 =	por @!p0 $0x0, $0x0  }
0x14: {  	p1 =	por p1, p0;
	s16 =	sshrl.u32 @!p2 s16, $0x9  }
0x15: {  	s17 =	simm.s32 @!p1 $0xFFFFFFFF;
	s16 =	sand.u32 @!p2 $0x7F, s16  }
0x16: {  	_ =	swait.ge [sflag:s11], $0x2800;
	s17 =	sand.u32 @!p1 $0xFF, s17;
	s16 =	smul.u32 @!p2 $0x3, s16  }
0x17: {  	[sflag:s11] =	ssyncset.done $0x0;
	s17 =	smul.u32 @!p1 $0xAB, s17  }
0x18: {  	p0 =	por @!p2 $0x1, $0x1;
	[sflag:s11] =	ssyncadd.s32 $0xFFFFD800;
	s16 =	ssub.s32 @!p2 $0x0, s16  }
0x19: {  	p0 =	por p0, p2;
	s17 =	sshrl.u32 @!p1 s17, $0x9;
	s16 =	sand.u32 @!p2 $0xFF, s16  }
0x1a: {  	[bflag:$0x0] =	sbarrier.arrive $0xFFFF;
	s17 =	smul.u32 @!p1 $0x3, s17;
	s18 =	sadd.s32 @!p0 $0x7, s16  }
0x1b: {  	s19 =	sshll.u32 @!p2 s16, $0x7;
	s16 =	sadd.s32 @!p2 $0x1, s16;
	_ =	swait.ge @!p0 [sflag:s18], $0x2800  }
0x1c: {  	s20 =	sadd.s32 @!p2 $0x14000, s19;
	s17 =	ssub.s32 @!p1 $0xFFFFFFFF, s17;
	[sflag:s18] =	ssyncset.done @!p0 $0x0  }
0x1d: {  	[sflag:s18] =	ssyncadd.s32 @!p0 $0xFFFFD800;
	s18 =	simm.s32 @!p2 $0x0;
	p0 =	por $0x1, $0x1  }
0x1e: {  	[tilespmem:s20], [sflag:s16] =	stream.linear.gather @!p2 [hbm4b:s9+s18], $0x50, $0x38;
	[tilespmem:$0x1BC00] =	vst v63  }
0x1f: {  	s17 =	sand.u32 @!p1 $0xFF, s17;
	s20 =	simm.s32 @!p0 $0xFFFFFFFE  }
0x20: {  	s19 =	sadd.s32 @!p2 $0x14200, s19;
	s21 =	sadd.s32 @!p1 $0x1, s17;
	s20 =	sand.u32 @!p0 $0xFF, s20  }
0x21: {  	[tilespmem:s19], [sflag:s16] =	stream.linear.gather @!p2 [hbm4b:s8+s18], $0x50, $0x38;
	[tilespmem:$0x1BC00] =	vst v63  }
0x22: {  	s22 =	sor.u32 @!p1 $0x4, s17;
	s16 =	simm.s32 $0x1;
	s18 =	smul.u32 @!p0 $0xAB, s20  }
0x23: {  	s19 =	sshll.u32 @!p1 s17, $0x7;
	s20 =	smul.u32 @!p1 $0xA000, s17;
	_ =	swait.ge @!p1 [sflag:s21], $0x50  }
0x24: {  	s17 =	sadd.s32 $0xA, s8;
	[sflag:s21] =	ssyncset.done @!p1 $0x0;
	s18 =	sshrl.u32 @!p0 s18, $0x9  }
0x25: {  	s20 =	sshrl.u32 @!p1 s20, $0x2;
	[sflag:s21] =	ssyncadd.s32 @!p1 $0xFFFFFFB0;
	s18 =	smul.u32 @!p0 $0x3, s18  }
0x26: {  	s19 =	sor.u32 @!p1 $0x14000, s19;
	s20 =	sadd.s32 @!p1 $0x14400, s20;
	_ =	swait.ge @!p1 [sflag:s21], $0x50  }
0x27: {  	s23 =	rddreg [dreg:$0x3];
	s18 =	ssub.s32 @!p0 $0xFFFFFFFE, s18;
	[sflag:s21] =	ssyncset.done @!p1 $0x0  }
0x28: {  	s24 =	sand.u32 @!p0 $0xFF, s18;
	[sflag:s21] =	ssyncadd.s32 @!p1 $0xFFFFFFB0;
	s18 =	simm.s32 @!p1 $0x50  }
0x29: {  	[tilespmem:s20], [sflag:s22] =	stream.indirect.gather @!p1 [hbm4b:s23+s18], $0x80, s19, s18, $0xb8;
	[tilespmem:$0x1BC00] =	vst v63  }
0x2a: {  	s18 =	sadd.s32 $0xA, s9;
	s19 =	simm.s32 @!p0 $0x50;
	s22 =	smul.u32 @!p0 $0xA000, s24  }
0x2b: {  	s20 =	sor.u32 @!p0 $0x4, s24;
	s23 =	sshll.u32 @!p0 s24, $0x7;
	s21 =	sadd.s32 @!p0 $0x7, s24  }
.LBB2_2:
0x2c: {  	_ =	swait.ge @!p0 [sflag:s20], $0x2800;
	s23 =	sor.u32 @!p0 $0x14200, s23  }
0x2d: {  	p3 =	sgt.u32 s16, $0xF9;
	s22 =	sshrl.u32 @!p0 s22, $0x2;
	[sflag:s20] =	ssyncset.done @!p0 $0x0  }
0x2e: {  	s25 =	smul.u32 @!p3 $0xAB, s16;
	s22 =	sadd.s32 @!p0 $0x14400, s22;
	[sflag:s20] =	ssyncadd.s32 @!p0 $0xFFFFD800  }
0x2f: {  	[spmem:s2] =	stream.indirect.scatter.add.f32 @!p0 [tilespmem:s22], [sflag:s21], $0x80, s23, s19, $0xb8;
	[tilespmem:$0x1BC00] =	vst v63  }
0x30: {  	s24 =	smov.u32 s16;
	s19 =	sshrl.u32 @!p3 s25, $0x9  }
0x31: {  	p0 =	seq.s32 s24, $0x0;
	s19 =	sand.u32 @!p3 $0x7F, s19  }
0x32: {  	p2 =	seq.s32 @!p0 s24, $0xFB;
	s19 =	smul.u32 @!p3 $0x3, s19  }
0x33: {  	p2 =	por p2, p0  }
0x34: {  	p4 =	slt.u32 @!p3 s16, $0x3;
	s20 =	sadd.s32 @!p2 $0xFFFFFFFF, s24;
	s19 =	ssub.s32 @!p3 s24, s19  }
0x35: {  	p4 =	por p4, p3;
	s21 =	sand.u32 @!p2 $0xFF, s20;
	s19 =	sand.u32 @!p3 $0xFF, s19  }
0x36: {  	s21 =	smul.u32 @!p2 $0xAB, s21;
	s22 =	sadd.s32 @!p4 $0x7, s19  }
0x37: {  	s23 =	sshll.u32 @!p3 s19, $0x7;
	s19 =	sadd.s32 @!p3 $0x1, s19;
	_ =	swait.ge @!p4 [sflag:s22], $0x2800  }
0x38: {  	s25 =	sadd.s32 @!p3 $0x14000, s23;
	s21 =	sshrl.u32 @!p2 s21, $0x9;
	[sflag:s22] =	ssyncset.done @!p4 $0x0  }
0x39: {  	s21 =	smul.u32 @!p2 $0x3, s21;
	[sflag:s22] =	ssyncadd.s32 @!p4 $0xFFFFD800;
	s22 =	simm.s32 @!p3 $0x0  }
0x3a: {  	[tilespmem:s25], [sflag:s19] =	stream.linear.gather @!p3 [hbm4b:s18+s22], $0x50, $0x38;
	[tilespmem:$0x1BC00] =	vst v63  }
0x3b: {  	s16 =	sadd.s32 $0x1, s16;
	p0 =	slt.u32 s24, $0x2;
	s20 =	ssub.s32 @!p2 s20, s21  }
0x3c: {  	s23 =	sadd.s32 @!p3 $0x14200, s23;
	s21 =	sadd.s32 @!p0 $0xFFFFFFFE, s24;
	s20 =	sand.u32 @!p2 $0xFF, s20  }
0x3d: {  	s24 =	sand.u32 @!p0 $0xFF, s21;
	s25 =	sadd.s32 @!p2 $0x1, s20;
	s28 =	smul.u32 @!p2 $0xA000, s20  }
0x3e: {  	s26 =	sshll.u32 @!p2 s20, $0x7;
	s29 =	sor.u32 @!p2 $0x4, s20;
	s20 =	smul.u32 @!p0 $0xAB, s24  }
0x3f: {  	[tilespmem:s23], [sflag:s19] =	stream.linear.gather @!p3 [hbm4b:s17+s22], $0x50, $0x38;
	[tilespmem:$0x1BC00] =	vst v63  }
0x40: {  	p1 =	sne.s32 s16, $0xFC;
	s18 =	sadd.s32 $0xA, s18;
	_ =	swait.ge @!p2 [sflag:s25], $0x50  }
0x41: {  	s19 =	sshrl.u32 @!p2 s28, $0x2;
	s20 =	sshrl.u32 @!p0 s20, $0x9;
	[sflag:s25] =	ssyncset.done @!p2 $0x0  }
0x42: {  	s24 =	sadd.s32 @!p2 $0x14400, s19;
	s19 =	smul.u32 @!p0 $0x3, s20;
	[sflag:s25] =	ssyncadd.s32 @!p2 $0xFFFFFFB0  }
0x43: {  	s17 =	sadd.s32 $0xA, s17;
	s26 =	sor.u32 @!p2 $0x14000, s26;
	_ =	swait.ge @!p2 [sflag:s25], $0x50  }
.Ltmp0:
0x44: {  	s20 =	ssub.s32 @!p0 s21, s19;
	s19 =	simm.s32 @!p0 $0x50;
	(pc) =	sbr.rel @p1 .LBB2_2-.Ltmp0, $4  }
0x45: {  	[sflag:s25] =	ssyncset.done @!p2 $0x0;
	s28 =	rddreg [dreg:$0x3];
	s21 =	sand.u32 @!p0 $0xFF, s20  }
0x46: {  	[sflag:s25] =	ssyncadd.s32 @!p2 $0xFFFFFFB0;
	s25 =	simm.s32 @!p2 $0x50;
	s22 =	smul.u32 @!p0 $0xA000, s21  }
0x47: {  	s20 =	sor.u32 @!p0 $0x4, s21;
	s23 =	sshll.u32 @!p0 s21, $0x7;
	s21 =	sadd.s32 @!p0 $0x7, s21  }
0x48: {  	[tilespmem:s24], [sflag:s29] =	stream.indirect.gather @!p2 [hbm4b:s28+s25], $0x80, s26, s25, $0xb8;
	[tilespmem:$0x1BC00] =	vst v63  }
0x49: {  	_ =	swait.ge @!p0 [sflag:s20], $0x2800  }
0x4a: {  	s16 =	sshrl.u32 @!p0 s22, $0x2;
	[sflag:s20] =	ssyncset.done @!p0 $0x0  }
0x4b: {  	s17 =	sor.u32 @!p0 $0x14200, s23;
	s16 =	sadd.s32 @!p0 $0x14400, s16;
	[sflag:s20] =	ssyncadd.s32 @!p0 $0xFFFFD800  }
0x4c: {  	[spmem:s2] =	stream.indirect.scatter.add.f32 @!p0 [tilespmem:s16], [sflag:s21], $0x80, s17, s19, $0xb8;
	[tilespmem:$0x1BC00] =	vst v63  }
0x4d: {  	_ =	swait.ge [sflag:s12], $0x2800  }
0x4e: {  	[sflag:s12] =	ssyncset.done $0x0  }
0x4f: {  	[sflag:s12] =	ssyncadd.s32 $0xFFFFD800  }
0x50: {  	_ =	swait.ge [sflag:s13], $0x2800  }
0x51: {  	[sflag:s13] =	ssyncset.done $0x0  }
0x52: {  	[sflag:s13] =	ssyncadd.s32 $0xFFFFD800  }
0x53: {  	_ =	swait.ge [sflag:s14], $0x2800  }
0x54: {  	s15 =	sadd.s32 $0x1, s15;
	[sflag:s14] =	ssyncset.done $0x0  }
0x55: {  	p0 =	sne.s32 s15, s7;
	[sflag:s14] =	ssyncadd.s32 $0xFFFFD800  }
.Ltmp1:
0x56: {  	[bflag:$0x0] =	sbarrier.arrive $0xFFFF;
	(pc) =	sbr.rel @p0 .LBB2_1-.Ltmp1, $4  }
0x57: {  	[hbm:s6], [sflag:s5] =	dma.local [spmem:s10], $0x2800  }
0x58: {  	_ =	swait.ge [sflag:s11], $0x2800  }
0x59: {  	[sflag:s11] =	ssyncset.done $0x0  }
0x5a: {  	[sflag:s11] =	ssyncadd.s32 $0xFFFFD800  }
0x5b: {  	_ =	sfence.sel $0x180000  }
0x5c: {  	[bflag:$0x0] =	sbarrier.arrive $0xFFFF  }
0x5d: {  	p0 =	sne.s32 s1, $0x0;
	_ =	strace $0x9000004D  }
0x5e: {  	s0 =	sadd.s32 @!p0 $0x100000, s0;
	[bflag:$0x2] =	sbarrier.arrive $0xFFFF  }
0x5f: {  	[sflag:s0] =	ssyncadd.tile.s32 @!p0 $0x1;
	_ =	shalt  }
.Lfunc_end2:
_tile_overlayer_lowered:
.L_overlay_start_2:
0x60: {  	(tag) =	ssettag $0x2  }
0x61: {  	s0 =	rddreg [dreg:$0x0];
	s2 =	stileid.u32  }
0x62: {  	s1 =	rddreg [dreg:$0x1];
	p0 =	sne.s32 s2, $0x0  }
0x63: {  	s3 =	rddreg [dreg:$0x2];
	[bflag:$0x3] =	sbarrier.arrive $0xFFFF;
	s2 =	simm.s32 @!p0 $0x1C0A  }
0x64: {  	[timem:s3], [sflag:s2] =	dma.local @!p0 [hbm:s0], s1  }
0x65: {  	s0 =	simm.s32 @!p0 $0xA  }
0x66: {  	_ =	swait.ge @!p0 [sflag:s0], s1  }
0x67: {  	s1 =	ssub.s32 @!p0 $0x0, s1;
	[sflag:s0] =	ssyncset.done @!p0 $0x0  }
0x68: {  	[sflag:s0] =	ssyncadd.s32 @!p0 s1  }
0x69: {  	[bflag:$0x3] =	sbarrier.arrive $0xFFFF  }
0x6a: {  	_ =	shalt  }

// kernel: kernel.8.cloned.1.call-start
scs
__scs_entry_jumppad:
0x0: {  	(pc) =	sbr.rel $0x88, $3  }
0x1: {  	(tag) =	ssettag $0x0;
	lr =	simm.s32 $0x1  }
0x2: {  	[smem:$0x3F98] =	sst lr;
	_ =	strace $0xD0000000  }
0x3: {  	_ = 	snop  }
0x4: {  	_ = 	snop  }
0x5: {  	_ = 	snop  }
0x6: {  	_ = 	snop  }
0x7: {  	_ = 	snop  }
__scs_overlays_trampoline_lowered:
0x8: {  	[smem:$0x3FA7] =	sst s0  }
0x9: {  	[smem:$0x3FA8] =	sst s1  }
0xa: {  	[smem:$0x3FA9] =	sst s2  }
0xb: {  	[smem:$0x3FAA] =	sst s3  }
0xc: {  	[smem:$0x3FAB] =	sst s4  }
0xd: {  	[smem:$0x3FAC] =	sst s5  }
0xe: {  	[smem:$0x3FAD] =	sst s6  }
0xf: {  	[smem:$0x3FAE] =	sst s7  }
0x10: {  	[smem:$0x3FAF] =	sst s8  }
0x11: {  	[smem:$0x3FB0] =	sst s9;
	s0 =	simm.s32 @!p0 $0x0  }
0x12: {  	s1 =	sld [smem:$0x3F96];
	s0 =	simm.s32 @p0 $0x1  }
0x13: {  	[smem:$0x3FB1] =	sst s0;
	s0 =	simm.s32 @!p1 $0x0  }
0x14: {  	s2 =	sld [smem:$0x3F95];
	s0 =	simm.s32 @p1 $0x1  }
0x15: {  	[smem:$0x3FB2] =	sst s0;
	s0 =	simm.s32 @!p2 $0x0  }
0x16: {  	s3 =	sld [smem:$0x3FDB];
	s0 =	simm.s32 @p2 $0x1  }
0x17: {  	s4 =	simm.s32 $0x1BF5;
	[smem:$0x3FB4] =	sst s0  }
0x18: {  	s0 =	sld [smem:$0x3F97];
	_ =	swait.ge [sflag:s4], $0x0  }
0x19: {  	s7 =	sld [smem:$0x3F98]  }
0x1a: {  	s8 =	sadd.s32 $0xFFFFE003, lr  }
0x1b: {  	s9 =	sadd.s32 $0xFFFFFEF7, lr;
	s5 =	simm.s32 $0xFFFFFFFF;
	p2 =	slt.u32 s8, $0xFFFFF086  }
0x1c: {  	p1 =	slt.u32 s9, $0xF7A;
	s5 =	simm.s32 @!p2 $0x0  }
0x1d: {  	s5 =	simm.s32 @p1 $0x1;
	p0 =	seq.s32 s7, s2  }
0x1e: {  	s7 =	smul.u32 @!p0 $0xF7A, s2;
	p2 =	seq.s32 @!p0 s5, $0x0  }
0x1f: {  	s9 =	smul.u32 $0xF7A, s1;
	s8 =	simm.s32 @!p0 $0x1BF5;
	p2 =	por !p2, p0  }
0x20: {  	[sflag:s8] =	ssyncset.s32 @!p0 $0xFFFFF086;
	s6 =	sadd.s32 @!p0 s3, s7;
	s7 =	simm.s32 @!p0 $0x108  }
0x21: {  	s3 =	sadd.s32 s3, s9;
	s6 =	sadd.s32 @!p0 $0x88, s6;
	s7 =	simm.s32 @p2 $0x1082  }
0x22: {  	[simem:s7], [sflag:s8] =	dma.local @!p0 [hbm:s6], $0xF7A  }
0x23: {  	s9 =	sor.u32 $0xD0000000, s2;
	s6 =	simm.s32 $0x108;
	_ =	swait.ge @!p0 [sflag:s8], $0x0  }
0x24: {  	s3 =	sadd.s32 $0x88, s3;
	s6 =	simm.s32 @!p1 $0x1082;
	[sflag:s4] =	ssyncset.s32 $0xFFFFF086  }
0x25: {  	[simem:s6], [sflag:s4] =	dma.local [hbm:s3], $0xF7A  }
0x26: {  	[smem:$0x3F98] =	sst s1;
	(tag) =	ssettag s2;
	_ =	strace s9  }
0x27: {  	s1 =	sld [smem:$0x3FA8]  }
0x28: {  	s2 =	sld [smem:$0x3FA9]  }
0x29: {  	s4 =	sld [smem:$0x3FAB]  }
0x2a: {  	p0 =	seq.s32 s5, $0x0;
	s5 =	sld [smem:$0x3FAC]  }
0x2b: {  	s6 =	sld [smem:$0x3FAD]  }
0x2c: {  	s7 =	sld [smem:$0x3FAE]  }
0x2d: {  	s3 =	simm.s32 $0x108;
	s8 =	sld [smem:$0x3FAF]  }
0x2e: {  	s3 =	simm.s32 @!p0 $0x1082;
	s9 =	sld [smem:$0x3FB0]  }
0x2f: {  	lr =	sadd.s32 s0, s3;
	s0 =	sld [smem:$0x3FA7]  }
0x30: {  	s3 =	sld [smem:$0x3FAA]  }
0x31: {  	[smem:$0x3FB3] =	sst s10  }
0x32: {  	s10 =	sld [smem:$0x3FB1];
	_ =	sdelay $0x3  }
0x33: {  	p0 =	seq.s32 s10, $0x1;
	s10 =	sld [smem:$0x3FB3];
	_ =	sdelay $0x3  }
0x34: {  	[smem:$0x3FB3] =	sst s10  }
0x35: {  	s10 =	sld [smem:$0x3FB2];
	_ =	sdelay $0x3  }
0x36: {  	p1 =	seq.s32 s10, $0x1;
	s10 =	sld [smem:$0x3FB3];
	_ =	sdelay $0x3  }
0x37: {  	[smem:$0x3FB3] =	sst s10  }
0x38: {  	s10 =	sld [smem:$0x3FB4]  }
0x39: {  	_ = 	snop;
	(pc) =	sbr.ind lr, $3  }
0x3a: {  	_ = 	snop  }
0x3b: {  	_ = 	snop  }
0x3c: {  	p2 =	seq.s32 s10, $0x1;
	s10 =	sld [smem:$0x3FB3]  }
0x3d: {  	_ =	shalt  }
0x3e: {  	_ =	shalt  }
0x3f: {  	_ =	shalt  }
0x40: {  	_ =	shalt  }
0x41: {  	_ =	shalt  }
0x42: {  	_ =	shalt  }
0x43: {  	_ =	shalt  }
0x44: {  	_ =	shalt  }
0x45: {  	_ =	shalt  }
0x46: {  	_ =	shalt  }
0x47: {  	_ =	shalt  }
0x48: {  	_ =	shalt  }
0x49: {  	_ =	shalt  }
0x4a: {  	_ =	shalt  }
0x4b: {  	_ =	shalt  }
0x4c: {  	_ =	shalt  }
0x4d: {  	_ =	shalt  }
0x4e: {  	_ =	shalt  }
0x4f: {  	_ =	shalt  }
0x50: {  	_ =	shalt  }
0x51: {  	_ =	shalt  }
0x52: {  	_ =	shalt  }
0x53: {  	_ =	shalt  }
0x54: {  	_ =	shalt  }
0x55: {  	_ =	shalt  }
0x56: {  	_ =	shalt  }
0x57: {  	_ =	shalt  }
0x58: {  	_ =	shalt  }
0x59: {  	_ =	shalt  }
0x5a: {  	_ =	shalt  }
0x5b: {  	_ =	shalt  }
0x5c: {  	_ =	shalt  }
0x5d: {  	_ =	shalt  }
0x5e: {  	_ =	shalt  }
0x5f: {  	_ =	shalt  }
0x60: {  	_ =	shalt  }
0x61: {  	_ =	shalt  }
0x62: {  	_ =	shalt  }
0x63: {  	_ =	shalt  }
0x64: {  	_ =	shalt  }
0x65: {  	_ =	shalt  }
0x66: {  	_ =	shalt  }
0x67: {  	_ =	shalt  }
0x68: {  	_ =	shalt  }
0x69: {  	_ =	shalt  }
0x6a: {  	_ =	shalt  }
0x6b: {  	_ =	shalt  }
0x6c: {  	_ =	shalt  }
0x6d: {  	_ =	shalt  }
0x6e: {  	_ =	shalt  }
0x6f: {  	_ =	shalt  }
0x70: {  	_ =	shalt  }
0x71: {  	_ =	shalt  }
0x72: {  	_ =	shalt  }
0x73: {  	_ =	shalt  }
0x74: {  	_ =	shalt  }
0x75: {  	_ =	shalt  }
0x76: {  	_ =	shalt  }
0x77: {  	_ =	shalt  }
0x78: {  	_ =	shalt  }
0x79: {  	_ =	shalt  }
0x7a: {  	_ =	shalt  }
0x7b: {  	_ =	shalt  }
0x7c: {  	_ =	shalt  }
0x7d: {  	_ =	shalt  }
0x7e: {  	_ =	shalt  }
0x7f: {  	_ =	shalt  }
0x80: {  	_ =	shalt  }
0x81: {  	_ =	shalt  }
0x82: {  	_ =	shalt  }
0x83: {  	_ =	shalt  }
0x84: {  	_ =	shalt  }
0x85: {  	_ =	shalt  }
0x86: {  	_ =	shalt  }
0x87: {  	_ =	shalt  }
.Lfunc_end0:
.L_simem_size_0:
called_computation_lowered:
.L_overlay_start_0:
0x88: {  	s2 =	sld [smem:$0x3FD9]  }
0x89: {  	s3 =	sld [smem:$0x3FFE];
	_ =	sdelay $0x1  }
0x8a: {  	s1 =	srdreg.scid  }
0x8b: {  	s0 =	sand.u32 $0x1, s1  }
0x8c: {  	s16 =	sshll.u32 s0, $0xA;
	s2 =	sadd.s32 s3, s2  }
0x8d: {  	s2 =	sadd.s32 s2, s16  }
0x8e: {  	[smem:$0x3FBF] =	sst s2  }
0x8f: {  	_ = 	snop  }
0x90: {  	(tm) =	ssettm $0x1  }
0x91: {  	s17 =	sld [smem:$0x3FFB];
	_ =	sdelay $0x3  }
0x92: {  	_ =	strace s17  }
0x93: {  	s2 =	sld [smem:$0x3FFC];
	_ =	sdelay $0x3  }
0x94: {  	_ =	strace s2  }
0x95: {  	s2 =	sld [smem:$0x3FFD];
	_ =	sdelay $0x3  }
0x96: {  	_ =	strace s2  }
0x97: {  	_ =	strace $0x8FFFFFFF  }
0x98: {  	s18 =	sld [smem:$0x3FDB];
	_ =	sdelay $0x1  }
0x99: {  	s19 =	simm.s32 $_scs_section_size  }
0x9a: {  	s4 =	simm.s32 $_size__tile_overlayer_lowered;
	s5 =	simm.s32 $_tile_overlayer_lowered  }
0x9b: {  	s22 =	simm.s32 $0x1BFF;
	s21 =	sshll.u32 s5, $0x1;
	s2 =	sadd.s32 s19, s18  }
0x9c: {  	s6 =	simm.s32 $0x0;
	s20 =	sshll.u32 s4, $0x1;
	s4 =	sadd.s32 s21, s2  }
0x9d: {  	[timem:s6], [sflag:s22] =	dma.local [hbm:s4], s20  }
0x9e: {  	_ =	swait.ge [sflag:s22], s20  }
0x9f: {  	s3 =	ssub.s32 $0x0, s20;
	[sflag:s22] =	ssyncset.done $0x0  }
0xa0: {  	[sflag:s22] =	ssyncadd.s32 s3;
	_ =	sdelay $0x1  }
0xa1: {  	s23 =	simm.s32 $0x1B8B  }
0xa2: {  	_ =	swait.ge [sflag:s23], $0x1  }
0xa3: {  	[sflag:s23] =	ssyncset.done $0x0  }
0xa4: {  	s25 =	simm.s32 $0x1B8E;
	s24 =	sld [smem:$0x3FFE];
	[sflag:s23] =	ssyncadd.s32 $0xFFFFFFFF  }
0xa5: {  	s26 =	simm.s32 $execute0_lowered;
	[smem:$0x3FD2] =	sst s25  }
0xa6: {  	s4 =	sshll.u32 s26, $0x1;
	_ =	strace $0x80000046;
	[dreg:$0x1] =	wrdreg $0xFFFFFFFF  }
0xa7: {  	s28 =	simm.s32 $_size_execute0_lowered;
	s2 =	sadd.s32 s2, s4;
	[dreg:$0x0] =	wrdreg $0x0  }
0xa8: {  	s4 =	sshll.u32 s28, $0x1;
	[dreg:$0x2] =	wrdreg s2  }
0xa9: {  	[dreg:$0x3] =	wrdreg s4  }
0xaa: {  	[dreg:$0x4] =	wrdreg $0xC0  }
0xab: {  	_ =	task [dreg:s6], $0x5FFFF  }
0xac: {  	[dreg:$0x1] =	wrdreg $0xFFFFFFFF  }
0xad: {  	[dreg:$0x0] =	wrdreg $0x60  }
0xae: {  	[dreg:$0x2] =	wrdreg s24  }
0xaf: {  	[dreg:$0x3] =	wrdreg $0x0  }
0xb0: {  	[dreg:$0x4] =	wrdreg $0x9  }
0xb1: {  	_ =	task.clear_ibuf [dreg:s6], $0x5FFFF;
	_ =	strace $0x90000046  }
0xb2: {  	s29 =	simm.s32 $0x9;
	_ =	strace $0x80000048  }
0xb3: {  	_ =	swait.ge [sflag:s29], $0x1  }
0xb4: {  	[sflag:s29] =	ssyncadd.s32 $0xFFFFFFFF  }
0xb5: {  	_ =	strace $0x90000048  }
0xb6: {  	_ =	sfence  }
0xb7: {  	s30 =	sld [smem:$0x0];
	_ =	sdelay $0x2  }
0xb8: {  	s31 =	sshll.u32 s1, $0xD;
	s1 =	sshrl.u32 s1, $0x2  }
0xb9: {  	s3 =	sand.u32 $0x4000, s31;
	s1 =	sadd.s32 s1, s30  }
0xba: {  	s0 =	sor.u32 s3, s0;
	s1 =	sshll.u32 s1, $0x11  }
0xbb: {  	s0 =	sor.u32 s1, s0  }
0xbc: {  	s0 =	sadd.s32 $0x8F2B, s0  }
0xbd: {  	[sflag:s0] =	ssyncadd.remote.s32 $0x1  }
0xbe: {  	_ =	sfence.sel $0xFFFF  }
0xbf: {  	[dreg:$0x0] =	wrdreg $0xFFFFFFFF;
	(pc) =	sbr.abs _section_cstart, $3  }
0xc0: {  	[dreg:$0x1] =	wrdreg $0xFFFFFFFF  }
0xc1: {  	_ =	task.clear_ibuf [dreg:s6], $0x2FFFF;
	_ =	strace $0x9FFFFFFF  }
0xc2: {  	(tm) =	ssettm $0x7FFFFFFF  }
0xc3: {  	_ =	shalt  }
tec
execute0_lowered:
.L_overlay_start_1:
0x0: {  	(tag) =	ssettag $0x1  }
0x1: {  	s6 =	rddreg [dreg:$0x0]  }
0x2: {  	s2 =	rddreg [dreg:$0x1]  }
0x3: {  	s0 =	rddreg [dreg:$0x2]  }
0x4: {  	s4 =	srdreg.scid;
	s1 =	stileid.u32;
	s3 =	simm.s32 $0x0  }
0x5: {  	s16 =	simm.s32 $0x2880;
	s17 =	simm.s32 $0x1;
	s18 =	simm.s32 $0x50  }
0x6: {  	s19 =	simm.s32 $0x3;
	s20 =	simm.s32 $0x4;
	s21 =	simm.s32 $0x0  }
0x7: {  	s7 =	sand.u32 $0x1, s4;
	s8 =	smul.u32 $0x2800, s1;
	[smem:$0x7FF] =	sst s3  }
0x8: {  	s11 =	sadd.s32 $0xCC00, s6;
	s4 =	sadd.s32 $0x17000, s6;
	s25 =	smul.u32 $0x50000, s1  }
0x9: {  	s5 =	sadd.s32 $0x16A00, s6;
	s12 =	sshll.u32 s1, $0x1;
	s13 =	smul.u32 $0x4E20, s1  }
0xa: {  	s28 =	sshll.u32 s1, $0x6;
	s9 =	smul.u32 $0x28000, s7;
	_ =	strace $0x80000047  }
0xb: {  	s24 =	ssub.s32 $0x2, s7;
	s26 =	sor.u32 s7, s12;
	s7 =	smul.u32 $0x2710, s7  }
0xc: {  	s10 =	sshrl.u32 s24, $0x1;
	s14 =	smul.u32 $0x2710, s26;
	s8 =	sadd.s32 s8, s9  }
0xd: {  	s10 =	ssub.s32 s24, s10;
	s9 =	sshrl.u32 s25, $0x2;
	s29 =	sadd.s32 s7, s13  }
0xe: {  	s8 =	sadd.s32 s8, s6;
	s15 =	sadd.s32 s9, s2;
	s6 =	sor.u32 $0x1C05, s28  }
0xf: {  	s30 =	sshrl.u32 s14, $0x3;
	s13 =	sadd.s32 $0xA0, s29;
	s14 =	simm.s32 $0x2900  }
0x10: {  	s7 =	sadd.s32 $0x19800, s8;
	s8 =	smax.u32 s10, $0x1;
	s9 =	sadd.s32 s11, s30  }
0x11: {  	s31 =	sshrl.u32 s13, $0x3;
	s12 =	sshrl.u32 s15, $0x3;
	s13 =	simm.s32 $0x5  }
0x12: {  	s15 =	simm.s32 $0x2800;
	s10 =	sadd.s32 $0xA, s9;
	s11 =	sadd.s32 s31, s11  }
.LBB2_1:
0x13: {  	[spmem:s12], [sflag:s6] =	dma.local [hbm:s4], $0x2800  }
0x14: {  	_ =	swait.ge [sflag:s13], $0x2800  }
0x15: {  	[sflag:s13] =	ssyncset.done $0x0  }
0x16: {  	[sflag:s13] =	ssyncadd.s32 $0xFFFFD800  }
0x17: {  	[tilespmem:s14], [sflag:$0x5] =	stream.linear.gather [hbm4b:s5+s3], $0x2800, $0x38;
	[tilespmem:$0x5100] =	vst v63  }
0x18: {  	_ =	swait.ge [sflag:s13], $0x2800  }
0x19: {  	[sflag:s13] =	ssyncset.done $0x0  }
0x1a: {  	[sflag:s13] =	ssyncadd.s32 $0xFFFFD800  }
0x1b: {  	[bflag:$0x0] =	sbarrier.arrive $0xFFFF  }
0x1c: {  	[tilespmem:s15], [sflag:$0x1] =	stream.linear.gather [hbm4b:s9+s3], $0x50, $0x38;
	[tilespmem:$0x5100] =	vst v63  }
0x1d: {  	_ = 	snop  }
0x1e: {  	[tilespmem:s16], [sflag:$0x2] =	stream.linear.gather [hbm4b:s10+s3], $0x50, $0x38;
	[tilespmem:$0x5100] =	vst v63  }
0x1f: {  	s22 =	simm.s32 $0x2;
	_ =	swait.ge [sflag:s17], $0x50  }
0x20: {  	s22 =	sand.u32 $0x1, s22;
	[sflag:s17] =	ssyncset.done $0x0  }
0x21: {  	s23 =	sadd.s32 $0x3, s22;
	[sflag:s17] =	ssyncadd.s32 $0xFFFFFFB0  }
0x22: {  	[spmem:s2] =	stream.indirect.scatter.add.f32 [tilespmem:s14], [sflag:$0x3], $0x10, s15, s18, $0xb8;
	[tilespmem:$0x5100] =	vst v63  }
0x23: {  	s24 =	sshll.u32 s22, $0x7;
	_ =	swait.ge [sflag:s23], $0x500  }
0x24: {  	s25 =	sxor.u32 $0x1, s22;
	s22 =	sadd.s32 $0x1, s22;
	[sflag:s23] =	ssyncset.done $0x0  }
0x25: {  	s26 =	sadd.s32 $0x1, s25;
	s30 =	sor.u32 $0x2800, s24;
	[sflag:s23] =	ssyncadd.s32 $0xFFFFFB00  }
0x26: {  	[tilespmem:s30], [sflag:s22] =	stream.linear.gather [hbm4b:s11+s3], $0x50, $0x38;
	[tilespmem:$0x5100] =	vst v63  }
0x27: {  	s31 =	sshll.u32 s25, $0x7;
	_ =	swait.ge [sflag:s26], $0x50  }
0x28: {  	s25 =	sadd.s32 $0x3, s25;
	s24 =	sor.u32 $0x2800, s31;
	[sflag:s26] =	ssyncset.done $0x0  }
0x29: {  	s23 =	sadd.s32 $0xA, s11;
	s22 =	simm.s32 $0x3;
	[sflag:s26] =	ssyncadd.s32 $0xFFFFFFB0  }
.LBB2_2:
0x2a: {  	[spmem:s2] =	stream.indirect.scatter.add.f32 [tilespmem:s14], [sflag:s25], $0x10, s24, s18, $0xb8;
	[tilespmem:$0x5100] =	vst v63  }
0x2b: {  	s24 =	sand.u32 $0x1, s22;
	p0 =	sne.s32 s22, $0x7C;
	s22 =	sadd.s32 $0x1, s22  }
0x2c: {  	s25 =	sadd.s32 $0x3, s24;
	s26 =	sshll.u32 s24, $0x7;
	s28 =	sxor.u32 $0x1, s24  }
0x2d: {  	s29 =	sshll.u32 s28, $0x7;
	_ =	swait.ge [sflag:s25], $0x500  }
0x2e: {  	s24 =	sadd.s32 $0x1, s24;
	s30 =	sadd.s32 $0x1, s28;
	[sflag:s25] =	ssyncset.done $0x0  }
.Ltmp0:
0x2f: {  	[sflag:s25] =	ssyncadd.s32 $0xFFFFFB00;
	s25 =	sor.u32 $0x2800, s26;
	(pc) =	sbr.rel @p0 .LBB2_2-.Ltmp0, $4  }
0x30: {  	[tilespmem:s25], [sflag:s24] =	stream.linear.gather [hbm4b:s23+s3], $0x50, $0x38;
	[tilespmem:$0x5100] =	vst v63  }
0x31: {  	_ =	swait.ge [sflag:s30], $0x50  }
0x32: {  	s23 =	sadd.s32 $0xA, s23;
	[sflag:s30] =	ssyncset.done $0x0  }
0x33: {  	s24 =	sor.u32 $0x2800, s29;
	s25 =	sadd.s32 $0x3, s28;
	[sflag:s30] =	ssyncadd.s32 $0xFFFFFFB0  }
0x34: {  	[spmem:s2] =	stream.indirect.scatter.add.f32 [tilespmem:s14], [sflag:s25], $0x10, s24, s18, $0xb8;
	[tilespmem:$0x5100] =	vst v63  }
0x35: {  	_ =	swait.ge [sflag:s17], $0x50  }
0x36: {  	[sflag:s17] =	ssyncset.done $0x0  }
0x37: {  	[sflag:s17] =	ssyncadd.s32 $0xFFFFFFB0  }
0x38: {  	[spmem:s2] =	stream.indirect.scatter.add.f32 [tilespmem:s14], [sflag:$0x3], $0x10, s15, s18, $0xb8;
	[tilespmem:$0x5100] =	vst v63  }
0x39: {  	_ =	swait.ge [sflag:s19], $0x500  }
0x3a: {  	[sflag:s19] =	ssyncset.done $0x0  }
0x3b: {  	[sflag:s19] =	ssyncadd.s32 $0xFFFFFB00  }
0x3c: {  	_ =	swait.ge [sflag:s20], $0x500  }
0x3d: {  	s21 =	sadd.s32 $0x1, s21;
	[sflag:s20] =	ssyncset.done $0x0  }
0x3e: {  	p0 =	sne.s32 s21, s8;
	[sflag:s20] =	ssyncadd.s32 $0xFFFFFB00  }
.Ltmp1:
0x3f: {  	[bflag:$0x0] =	sbarrier.arrive $0xFFFF;
	(pc) =	sbr.rel @p0 .LBB2_1-.Ltmp1, $4  }
0x40: {  	[hbm:s7], [sflag:s6] =	dma.local [spmem:s12], $0x2800  }
0x41: {  	_ =	swait.ge [sflag:s13], $0x2800  }
0x42: {  	[sflag:s13] =	ssyncset.done $0x0  }
0x43: {  	[sflag:s13] =	ssyncadd.s32 $0xFFFFD800  }
0x44: {  	_ =	sfence.sel $0x180000  }
0x45: {  	[bflag:$0x0] =	sbarrier.arrive $0xFFFF  }
0x46: {  	p0 =	sne.s32 s1, $0x0;
	_ =	strace $0x90000047  }
0x47: {  	s0 =	sadd.s32 @!p0 $0x100000, s0;
	[bflag:$0x2] =	sbarrier.arrive $0xFFFF  }
0x48: {  	[sflag:s0] =	ssyncadd.tile.s32 @!p0 $0x1;
	_ =	shalt  }
.Lfunc_end2:
_tile_overlayer_lowered:
.L_overlay_start_2:
0x49: {  	(tag) =	ssettag $0x2  }
0x4a: {  	s0 =	rddreg [dreg:$0x0];
	s2 =	stileid.u32  }
0x4b: {  	s1 =	rddreg [dreg:$0x1];
	p0 =	sne.s32 s2, $0x0  }
0x4c: {  	s3 =	rddreg [dreg:$0x2];
	[bflag:$0x3] =	sbarrier.arrive $0xFFFF;
	s2 =	simm.s32 @!p0 $0x1C05  }
0x4d: {  	[timem:s3], [sflag:s2] =	dma.local @!p0 [hbm:s0], s1  }
0x4e: {  	s0 =	simm.s32 @!p0 $0x5  }
0x4f: {  	_ =	swait.ge @!p0 [sflag:s0], s1  }
0x50: {  	s1 =	ssub.s32 @!p0 $0x0, s1;
	[sflag:s0] =	ssyncset.done @!p0 $0x0  }
0x51: {  	[sflag:s0] =	ssyncadd.s32 @!p0 s1  }
0x52: {  	[bflag:$0x3] =	sbarrier.arrive $0xFFFF  }
0x53: {  	_ =	shalt  }

</sc_bundles>
